<compile_context>
chip_gen: v7x
topology: tpu7x:2x2x1
jax: 0.10.2.dev20260603
libtpu: 0.0.44.dev20260713+nightly
codegen_flags: <defaults>
</compile_context>

<pallas_src>
import functools
import math

import jax
import jax.numpy as jnp
from jax import lax
from jax.experimental import pallas as pl
from jax.experimental.pallas import tpu as pltpu
from jax.experimental.pallas import tpu_sc as plsc

_INFO = plsc.get_sparse_core_info()
_NC = _INFO.num_cores
_NS = _INFO.num_subcores
_L = _INFO.num_lanes
_NW = _NC * _NS

_CH = 512
_NBUF = 3


@functools.lru_cache(maxsize=None)
def _make_call(B, V, D, scale):
    assert B % (_NW * _CH) == 0
    b_per_w = B // _NW
    n_chunks = b_per_w // _CH
    n_outer = (n_chunks + _NBUF - 1) // _NBUF
    mesh = plsc.VectorSubcoreMesh(core_axis_name="c", subcore_axis_name="s")

    @functools.partial(
        pl.kernel,
        mesh=mesh,
        out_type=jax.ShapeDtypeStruct((B, 128), jnp.float32),
        scratch_types=[
            pltpu.VMEM((b_per_w,), jnp.int32),
            pltpu.VMEM((_CH, D), jnp.float32),
            pltpu.VMEM((_CH, D), jnp.float32),
            pltpu.VMEM((_CH, D), jnp.float32),
            pltpu.SemaphoreType.DMA,
            pltpu.SemaphoreType.DMA,
            pltpu.SemaphoreType.DMA,
            pltpu.SemaphoreType.DMA,
            pltpu.SemaphoreType.DMA,
            pltpu.SemaphoreType.DMA,
        ],
        compiler_params=pltpu.CompilerParams(use_tc_tiling_on_sc=False),
    )
    def emb(idx_hbm, table_hbm, out_hbm, idx_v, r0, r1, r2,
            gs0, gs1, gs2, os0, os1, os2):
        wid = lax.axis_index("s") * _NC + lax.axis_index("c")
        base = wid * b_per_w
        bufs = (r0, r1, r2)
        gsems = (gs0, gs1, gs2)
        osems = (os0, os1, os2)

        pltpu.sync_copy(idx_hbm.at[pl.ds(base, b_per_w)], idx_v)

        def g_start(c, b):
            pltpu.async_copy(
                table_hbm.at[idx_v.at[pl.ds(c * _CH, _CH)]], bufs[b],
                gsems[b])

        def g_wait(b):
            pltpu.make_async_copy(
                table_hbm.at[idx_v.at[pl.ds(0, _CH)]], bufs[b],
                gsems[b]).wait()

        def o_start(c, b):
            pltpu.async_copy(
                bufs[b],
                out_hbm.at[pl.ds(base + c * _CH, _CH), pl.ds(0, D)],
                osems[b])

        def o_wait(b):
            pltpu.make_async_copy(
                bufs[b],
                out_hbm.at[pl.ds(base, _CH), pl.ds(0, D)],
                osems[b]).wait()

        def scale_rows(b):
            rows = bufs[b]

            def row_body(j, carry):
                for k in range(D // _L):
                    sl = pl.ds(k * _L, _L)
                    rows[j, sl] = rows[j, sl] * scale
                return carry

            lax.fori_loop(0, _CH, row_body, 0, unroll=8)

        g_start(0, 0)

        def outer_body(i, carry):
            for j in range(_NBUF):
                c = i * _NBUF + j
                b = j

                @pl.when(c < n_chunks)
                def _():
                    nb = (j + 1) % _NBUF

                    @pl.when(c + 1 < n_chunks)
                    def _():
                        @pl.when(c + 1 >= _NBUF)
                        def _():
                            o_wait(nb)

                        g_start(c + 1, nb)

                    g_wait(b)
                    scale_rows(b)
                    o_start(c, b)
            return carry

        lax.fori_loop(0, n_outer, outer_body, 0)

        for j in range(_NBUF):
            c = n_chunks - _NBUF + j
            if c >= 0:
                o_wait(c % _NBUF)

    return emb


def kernel(x, table):
    Bdim, S = x.shape
    V, D = table.shape
    idx = x.reshape(-1).astype(jnp.int32)
    scale = float(math.sqrt(D))
    tbl2 = lax.optimization_barrier(table.reshape(V * D // 128, 128))
    tbl_lin = tbl2.reshape(V, D)
    out = _make_call(Bdim * S, V, D, scale)(idx, tbl_lin)
    return out.reshape(Bdim, S, 128)[:, :, :D]

# --- scband reference (transcript-rebuilt; emitter-appended) ---
"""Pipeline reference for scband-input-embedding-29892972380269 (READ-ONLY COPY).

The authoritative reference and input builder live on the scoring server;
editing this copy changes nothing except your own understanding.
"""

import jax, jax.numpy as jnp
import numpy as np
import math

VOCAB = 1000000
D_MODEL = 64

def setup_inputs(seed: int = 0) -> dict:
    key = jax.random.key(seed)
    k1, k2 = jax.random.split(key)
    x = jax.random.randint(k1, (4096, 200), 0, VOCAB, dtype=jnp.int64 if jax.config.jax_enable_x64 else jnp.int32)
    table = jax.random.normal(k2, (VOCAB, D_MODEL), dtype=jnp.float32)
    return {"x": x, "table": table}

def reference(x, table):
    # nn.Embedding lookup followed by scaling by sqrt(d_model)
    emb = jnp.take(table, x, axis=0)
    return emb * math.sqrt(D_MODEL)

if __name__ == "__main__":
    import jax
    _d = setup_inputs()
    print(jax.jit(kernel)(*tuple(_d.values())))

</pallas_src>

<mosaic_0001>
#map = affine_map<(d0, d1) -> (0)>
#map1 = affine_map<(d0, d1) -> (0, 0)>
module attributes {stable_mosaic.version = 14 : i64} {
  func.func @emb(%arg0: i32, %arg1: i32, %arg2: memref<819200xi32, #tpu.memory_space<hbm>>, %arg3: memref<1000000x64xf32, #tpu.memory_space<hbm>>, %arg4: memref<819200x128xf32, #tpu.memory_space<hbm>>, %arg5: memref<25600xi32, #tpu.memory_space<vmem>>, %arg6: memref<512x64xf32, #tpu.memory_space<vmem>>, %arg7: memref<512x64xf32, #tpu.memory_space<vmem>>, %arg8: memref<512x64xf32, #tpu.memory_space<vmem>>, %arg9: memref<!tpu.dma_semaphore, #tpu.memory_space<semaphore_mem>>, %arg10: memref<!tpu.dma_semaphore, #tpu.memory_space<semaphore_mem>>, %arg11: memref<!tpu.dma_semaphore, #tpu.memory_space<semaphore_mem>>, %arg12: memref<!tpu.dma_semaphore, #tpu.memory_space<semaphore_mem>>, %arg13: memref<!tpu.dma_semaphore, #tpu.memory_space<semaphore_mem>>, %arg14: memref<!tpu.dma_semaphore, #tpu.memory_space<semaphore_mem>>) attributes {dimension_semantics = [#tpu.dimension_semantics<core_parallel>, #tpu.dimension_semantics<subcore_parallel>], iteration_bounds = array<i64: 2, 16>, scalar_prefetch = 0 : i64, scratch_operands = 10 : i64, tpu.core_type = #tpu.core_type<sc_vector_subcore>, window_params = [{transform_indices = #map}, {transform_indices = #map1}, {transform_indices = #map1}]} {
    %mul3A = arith.constant 2 : i32
    %mul3A_0 = arith.muli %arg1, %mul3A : i32
    %add3A = arith.addi %mul3A_0, %arg0 : i32
    %mul3A_1 = arith.constant 25600 : i32
    %mul3A_2 = arith.muli %add3A, %mul3A_1 : i32
    "tpu.region"() ({
      %run_scoped3A = tpu.sem_alloc : memref<!tpu.dma_semaphore, #tpu.memory_space<semaphore_mem>>
      %dma_start3A_23 = tpu.memref_slice %arg2[%mul3A_2] : memref<819200xi32, #tpu.memory_space<hbm>> -> memref<25600xi32, #tpu.memory_space<hbm>>
      %dma_start3A_24 = tpu.memref_slice %arg2[%mul3A_2] : memref<819200xi32, #tpu.memory_space<hbm>> -> memref<25600xi32, #tpu.memory_space<hbm>>
      tpu.enqueue_dma source(%dma_start3A_24 : memref<25600xi32, #tpu.memory_space<hbm>>) target(%arg5 : memref<25600xi32, #tpu.memory_space<vmem>>) target_semaphore(%run_scoped3A : memref<!tpu.dma_semaphore, #tpu.memory_space<semaphore_mem>>)
      %dma_wait3A_25 = tpu.memref_slice %arg2[%mul3A_2] : memref<819200xi32, #tpu.memory_space<hbm>> -> memref<25600xi32, #tpu.memory_space<hbm>>
      %dma_wait3A_26 = tpu.memref_slice %arg2[%mul3A_2] : memref<819200xi32, #tpu.memory_space<hbm>> -> memref<25600xi32, #tpu.memory_space<hbm>>
      tpu.wait_dma2 semaphore(%run_scoped3A : memref<!tpu.dma_semaphore, #tpu.memory_space<semaphore_mem>>) src(%dma_wait3A_26 : memref<25600xi32, #tpu.memory_space<hbm>>) dst(%arg5 : memref<25600xi32, #tpu.memory_space<vmem>>)
      tpu.yield
    }) : () -> ()
    %dma_start3A = arith.constant 0 : i32
    %dma_start3A_3 = tpu.memref_slice %arg5[%dma_start3A] : memref<25600xi32, #tpu.memory_space<vmem>> -> memref<512xi32, #tpu.memory_space<vmem>>
    %dma_start3A_4 = arith.constant 0 : i32
    %dma_start3A_5 = arith.constant 0 : i32
    %dma_start3A_6 = tpu.memref_slice %arg3[%dma_start3A_4, %dma_start3A_5] : memref<1000000x64xf32, #tpu.memory_space<hbm>> -> memref<1000000x64xf32, #tpu.memory_space<hbm>>
    tpu.enqueue_indirect_dma source(%dma_start3A_6 : memref<1000000x64xf32, #tpu.memory_space<hbm>>) target(%arg6 : memref<512x64xf32, #tpu.memory_space<vmem>>) offsets(%dma_start3A_3 : memref<512xi32, #tpu.memory_space<vmem>>) semaphore(%arg9 : memref<!tpu.dma_semaphore, #tpu.memory_space<semaphore_mem>>)
    %scan3A = arith.constant 0 : i32
    %scan3A_7 = arith.constant 0 : i32
    %scan3A_8 = arith.constant 17 : i32
    %scan3A_9 = arith.addi %scan3A_7, %scan3A_8 : i32
    %scan3A_10 = arith.constant 1 : i32
    scf.for %scan3A_23 = %scan3A_7 to %scan3A_9 step %scan3A_10  : i32 {
      %mul3A_24 = arith.constant 3 : i32
      %mul3A_25 = arith.muli %scan3A_23, %mul3A_24 : i32
      %add3A_26 = arith.constant 0 : i32
      %add3A_27 = arith.addi %mul3A_25, %add3A_26 : i32
      %lt3A = arith.constant 50 : i32
      %lt3A_28 = arith.cmpi slt, %add3A_27, %lt3A : i32
      %convert_element_type3A = arith.extui %lt3A_28 : i1 to i32
      %cond3A = arith.constant 0 : i32
      %cond3A_29 = arith.cmpi ne, %convert_element_type3A, %cond3A : i32
      scf.if %cond3A_29 {
        %add3A_48 = arith.constant 1 : i32
        %add3A_49 = arith.addi %add3A_27, %add3A_48 : i32
        %lt3A_50 = arith.constant 50 : i32
        %lt3A_51 = arith.cmpi slt, %add3A_49, %lt3A_50 : i32
        %convert_element_type3A_52 = arith.extui %lt3A_51 : i1 to i32
        %cond3A_53 = arith.constant 0 : i32
        %cond3A_54 = arith.cmpi ne, %convert_element_type3A_52, %cond3A_53 : i32
        scf.if %cond3A_54 {
          %add3A_73 = arith.constant 1 : i32
          %add3A_74 = arith.addi %add3A_27, %add3A_73 : i32
          %ge3A = arith.constant 3 : i32
          %ge3A_75 = arith.cmpi sge, %add3A_74, %ge3A : i32
          %convert_element_type3A_76 = arith.extui %ge3A_75 : i1 to i32
          %cond3A_77 = arith.constant 0 : i32
          %cond3A_78 = arith.cmpi ne, %convert_element_type3A_76, %cond3A_77 : i32
          scf.if %cond3A_78 {
            %dma_wait3A_87 = arith.constant 0 : i32
            %dma_wait3A_88 = tpu.memref_slice %arg4[%mul3A_2, %dma_wait3A_87] : memref<819200x128xf32, #tpu.memory_space<hbm>> -> memref<512x64xf32, #tpu.memory_space<hbm>>
            %dma_wait3A_89 = arith.constant 0 : i32
            %dma_wait3A_90 = tpu.memref_slice %arg4[%mul3A_2, %dma_wait3A_89] : memref<819200x128xf32, #tpu.memory_space<hbm>> -> memref<512x64xf32, #tpu.memory_space<hbm>>
            tpu.wait_dma2 semaphore(%arg13 : memref<!tpu.dma_semaphore, #tpu.memory_space<semaphore_mem>>) src(%arg7 : memref<512x64xf32, #tpu.memory_space<vmem>>) dst(%dma_wait3A_90 : memref<512x64xf32, #tpu.memory_space<hbm>>)
          } else {
          }
          %add3A_79 = arith.constant 1 : i32
          %add3A_80 = arith.addi %add3A_27, %add3A_79 : i32
          %mul3A_81 = arith.constant 512 : i32
          %mul3A_82 = arith.muli %add3A_80, %mul3A_81 : i32
          %dma_start3A_83 = tpu.memref_slice %arg5[%mul3A_82] : memref<25600xi32, #tpu.memory_space<vmem>> -> memref<512xi32, #tpu.memory_space<vmem>>
          %dma_start3A_84 = arith.constant 0 : i32
          %dma_start3A_85 = arith.constant 0 : i32
          %dma_start3A_86 = tpu.memref_slice %arg3[%dma_start3A_84, %dma_start3A_85] : memref<1000000x64xf32, #tpu.memory_space<hbm>> -> memref<1000000x64xf32, #tpu.memory_space<hbm>>
          tpu.enqueue_indirect_dma source(%dma_start3A_86 : memref<1000000x64xf32, #tpu.memory_space<hbm>>) target(%arg7 : memref<512x64xf32, #tpu.memory_space<vmem>>) offsets(%dma_start3A_83 : memref<512xi32, #tpu.memory_space<vmem>>) semaphore(%arg10 : memref<!tpu.dma_semaphore, #tpu.memory_space<semaphore_mem>>)
        } else {
        }
        %dma_wait3A_55 = arith.constant 0 : i32
        %dma_wait3A_56 = tpu.memref_slice %arg5[%dma_wait3A_55] : memref<25600xi32, #tpu.memory_space<vmem>> -> memref<512xi32, #tpu.memory_space<vmem>>
        %dma_wait3A_57 = arith.constant 0 : i32
        %dma_wait3A_58 = arith.constant 0 : i32
        %dma_wait3A_59 = tpu.memref_slice %arg3[%dma_wait3A_57, %dma_wait3A_58] : memref<1000000x64xf32, #tpu.memory_space<hbm>> -> memref<1000000x64xf32, #tpu.memory_space<hbm>>
        tpu.wait_indirect_dma semaphore(%arg9 : memref<!tpu.dma_semaphore, #tpu.memory_space<semaphore_mem>>) src(%dma_wait3A_59 : memref<1000000x64xf32, #tpu.memory_space<hbm>>) dst(%arg6 : memref<512x64xf32, #tpu.memory_space<vmem>>)
        %scan3A_60 = arith.constant 0 : i32
        %scan3A_61 = arith.constant 0 : i32
        %scan3A_62 = arith.constant 512 : i32
        %scan3A_63 = arith.addi %scan3A_61, %scan3A_62 : i32
        %scan3A_64 = arith.constant 8 : i32
        scf.for %scan3A_73 = %scan3A_61 to %scan3A_63 step %scan3A_64  : i32 {
          %get3A = arith.index_cast %scan3A_73 : i32 to index
          %get3A_74 = arith.constant 0 : index
          %get3A_75 = tpu.vector_load %arg6[%get3A, %get3A_74] {strides = array<i32>} : memref<512x64xf32, #tpu.memory_space<vmem>>, vector<1x16xf32>,
          %get3A_76 = vector.shape_cast %get3A_75 : vector<1x16xf32> to vector<16xf32>
          %mul3A_77 = arith.constant 8.000000e+00 : f32
          %mul3A_78 = vector.broadcast %mul3A_77 : f32 to vector<16xf32>
          %mul3A_79 = arith.mulf %get3A_76, %mul3A_78 : vector<16xf32>
          %swap3A = arith.index_cast %scan3A_73 : i32 to index
          %swap3A_80 = arith.constant 0 : index
          %swap3A_81 = tpu.vector_load %arg6[%swap3A, %swap3A_80] {strides = array<i32>} : memref<512x64xf32, #tpu.memory_space<vmem>>, vector<1x16xf32>,
          %swap3A_82 = vector.shape_cast %swap3A_81 : vector<1x16xf32> to vector<16xf32>
          %swap3A_83 = vector.shape_cast %mul3A_79 : vector<16xf32> to vector<1x16xf32>
          tpu.vector_store %arg6[%swap3A, %swap3A_80], %swap3A_83 {strides = array<i32>} : memref<512x64xf32, #tpu.memory_space<vmem>>, vector<1x16xf32>,
          %get3A_84 = arith.index_cast %scan3A_73 : i32 to index
          %get3A_85 = arith.constant 16 : index
          %get3A_86 = tpu.vector_load %arg6[%get3A_84, %get3A_85] {strides = array<i32>} : memref<512x64xf32, #tpu.memory_space<vmem>>, vector<1x16xf32>,
          %get3A_87 = vector.shape_cast %get3A_86 : vector<1x16xf32> to vector<16xf32>
          %mul3A_88 = arith.constant 8.000000e+00 : f32
          %mul3A_89 = vector.broadcast %mul3A_88 : f32 to vector<16xf32>
          %mul3A_90 = arith.mulf %get3A_87, %mul3A_89 : vector<16xf32>
          %swap3A_91 = arith.index_cast %scan3A_73 : i32 to index
          %swap3A_92 = arith.constant 16 : index
          %swap3A_93 = tpu.vector_load %arg6[%swap3A_91, %swap3A_92] {strides = array<i32>} : memref<512x64xf32, #tpu.memory_space<vmem>>, vector<1x16xf32>,
          %swap3A_94 = vector.shape_cast %swap3A_93 : vector<1x16xf32> to vector<16xf32>
          %swap3A_95 = vector.shape_cast %mul3A_90 : vector<16xf32> to vector<1x16xf32>
          tpu.vector_store %arg6[%swap3A_91, %swap3A_92], %swap3A_95 {strides = array<i32>} : memref<512x64xf32, #tpu.memory_space<vmem>>, vector<1x16xf32>,
          %get3A_96 = arith.index_cast %scan3A_73 : i32 to index
          %get3A_97 = arith.constant 32 : index
          %get3A_98 = tpu.vector_load %arg6[%get3A_96, %get3A_97] {strides = array<i32>} : memref<512x64xf32, #tpu.memory_space<vmem>>, vector<1x16xf32>,
          %get3A_99 = vector.shape_cast %get3A_98 : vector<1x16xf32> to vector<16xf32>
          %mul3A_100 = arith.constant 8.000000e+00 : f32
          %mul3A_101 = vector.broadcast %mul3A_100 : f32 to vector<16xf32>
          %mul3A_102 = arith.mulf %get3A_99, %mul3A_101 : vector<16xf32>
          %swap3A_103 = arith.index_cast %scan3A_73 : i32 to index
          %swap3A_104 = arith.constant 32 : index
          %swap3A_105 = tpu.vector_load %arg6[%swap3A_103, %swap3A_104] {strides = array<i32>} : memref<512x64xf32, #tpu.memory_space<vmem>>, vector<1x16xf32>,
          %swap3A_106 = vector.shape_cast %swap3A_105 : vector<1x16xf32> to vector<16xf32>
          %swap3A_107 = vector.shape_cast %mul3A_102 : vector<16xf32> to vector<1x16xf32>
          tpu.vector_store %arg6[%swap3A_103, %swap3A_104], %swap3A_107 {strides = array<i32>} : memref<512x64xf32, #tpu.memory_space<vmem>>, vector<1x16xf32>,
          %get3A_108 = arith.index_cast %scan3A_73 : i32 to index
          %get3A_109 = arith.constant 48 : index
          %get3A_110 = tpu.vector_load %arg6[%get3A_108, %get3A_109] {strides = array<i32>} : memref<512x64xf32, #tpu.memory_space<vmem>>, vector<1x16xf32>,
          %get3A_111 = vector.shape_cast %get3A_110 : vector<1x16xf32> to vector<16xf32>
          %mul3A_112 = arith.constant 8.000000e+00 : f32
          %mul3A_113 = vector.broadcast %mul3A_112 : f32 to vector<16xf32>
          %mul3A_114 = arith.mulf %get3A_111, %mul3A_113 : vector<16xf32>
          %swap3A_115 = arith.index_cast %scan3A_73 : i32 to index
          %swap3A_116 = arith.constant 48 : index
          %swap3A_117 = tpu.vector_load %arg6[%swap3A_115, %swap3A_116] {strides = array<i32>} : memref<512x64xf32, #tpu.memory_space<vmem>>, vector<1x16xf32>,
          %swap3A_118 = vector.shape_cast %swap3A_117 : vector<1x16xf32> to vector<16xf32>
          %swap3A_119 = vector.shape_cast %mul3A_114 : vector<16xf32> to vector<1x16xf32>
          tpu.vector_store %arg6[%swap3A_115, %swap3A_116], %swap3A_119 {strides = array<i32>} : memref<512x64xf32, #tpu.memory_space<vmem>>, vector<1x16xf32>,
          %scan3A_120 = arith.constant 1 : i32
          %scan3A_121 = arith.addi %scan3A_73, %scan3A_120 : i32
          %get3A_122 = arith.index_cast %scan3A_121 : i32 to index
          %get3A_123 = arith.constant 0 : index
          %get3A_124 = tpu.vector_load %arg6[%get3A_122, %get3A_123] {strides = array<i32>} : memref<512x64xf32, #tpu.memory_space<vmem>>, vector<1x16xf32>,
          %get3A_125 = vector.shape_cast %get3A_124 : vector<1x16xf32> to vector<16xf32>
          %mul3A_126 = arith.constant 8.000000e+00 : f32
          %mul3A_127 = vector.broadcast %mul3A_126 : f32 to vector<16xf32>
          %mul3A_128 = arith.mulf %get3A_125, %mul3A_127 : vector<16xf32>
          %swap3A_129 = arith.index_cast %scan3A_121 : i32 to index
          %swap3A_130 = arith.constant 0 : index
          %swap3A_131 = tpu.vector_load %arg6[%swap3A_129, %swap3A_130] {strides = array<i32>} : memref<512x64xf32, #tpu.memory_space<vmem>>, vector<1x16xf32>,
          %swap3A_132 = vector.shape_cast %swap3A_131 : vector<1x16xf32> to vector<16xf32>
          %swap3A_133 = vector.shape_cast %mul3A_128 : vector<16xf32> to vector<1x16xf32>
          tpu.vector_store %arg6[%swap3A_129, %swap3A_130], %swap3A_133 {strides = array<i32>} : memref<512x64xf32, #tpu.memory_space<vmem>>, vector<1x16xf32>,
          %get3A_134 = arith.index_cast %scan3A_121 : i32 to index
          %get3A_135 = arith.constant 16 : index
          %get3A_136 = tpu.vector_load %arg6[%get3A_134, %get3A_135] {strides = array<i32>} : memref<512x64xf32, #tpu.memory_space<vmem>>, vector<1x16xf32>,
          %get3A_137 = vector.shape_cast %get3A_136 : vector<1x16xf32> to vector<16xf32>
          %mul3A_138 = arith.constant 8.000000e+00 : f32
          %mul3A_139 = vector.broadcast %mul3A_138 : f32 to vector<16xf32>
          %mul3A_140 = arith.mulf %get3A_137, %mul3A_139 : vector<16xf32>
          %swap3A_141 = arith.index_cast %scan3A_121 : i32 to index
          %swap3A_142 = arith.constant 16 : index
          %swap3A_143 = tpu.vector_load %arg6[%swap3A_141, %swap3A_142] {strides = array<i32>} : memref<512x64xf32, #tpu.memory_space<vmem>>, vector<1x16xf32>,
          %swap3A_144 = vector.shape_cast %swap3A_143 : vector<1x16xf32> to vector<16xf32>
          %swap3A_145 = vector.shape_cast %mul3A_140 : vector<16xf32> to vector<1x16xf32>
          tpu.vector_store %arg6[%swap3A_141, %swap3A_142], %swap3A_145 {strides = array<i32>} : memref<512x64xf32, #tpu.memory_space<vmem>>, vector<1x16xf32>,
          %get3A_146 = arith.index_cast %scan3A_121 : i32 to index
          %get3A_147 = arith.constant 32 : index
          %get3A_148 = tpu.vector_load %arg6[%get3A_146, %get3A_147] {strides = array<i32>} : memref<512x64xf32, #tpu.memory_space<vmem>>, vector<1x16xf32>,
          %get3A_149 = vector.shape_cast %get3A_148 : vector<1x16xf32> to vector<16xf32>
          %mul3A_150 = arith.constant 8.000000e+00 : f32
          %mul3A_151 = vector.broadcast %mul3A_150 : f32 to vector<16xf32>
          %mul3A_152 = arith.mulf %get3A_149, %mul3A_151 : vector<16xf32>
          %swap3A_153 = arith.index_cast %scan3A_121 : i32 to index
          %swap3A_154 = arith.constant 32 : index
          %swap3A_155 = tpu.vector_load %arg6[%swap3A_153, %swap3A_154] {strides = array<i32>} : memref<512x64xf32, #tpu.memory_space<vmem>>, vector<1x16xf32>,
          %swap3A_156 = vector.shape_cast %swap3A_155 : vector<1x16xf32> to vector<16xf32>
          %swap3A_157 = vector.shape_cast %mul3A_152 : vector<16xf32> to vector<1x16xf32>
          tpu.vector_store %arg6[%swap3A_153, %swap3A_154], %swap3A_157 {strides = array<i32>} : memref<512x64xf32, #tpu.memory_space<vmem>>, vector<1x16xf32>,
          %get3A_158 = arith.index_cast %scan3A_121 : i32 to index
          %get3A_159 = arith.constant 48 : index
          %get3A_160 = tpu.vector_load %arg6[%get3A_158, %get3A_159] {strides = array<i32>} : memref<512x64xf32, #tpu.memory_space<vmem>>, vector<1x16xf32>,
          %get3A_161 = vector.shape_cast %get3A_160 : vector<1x16xf32> to vector<16xf32>
          %mul3A_162 = arith.constant 8.000000e+00 : f32
          %mul3A_163 = vector.broadcast %mul3A_162 : f32 to vector<16xf32>
          %mul3A_164 = arith.mulf %get3A_161, %mul3A_163 : vector<16xf32>
          %swap3A_165 = arith.index_cast %scan3A_121 : i32 to index
          %swap3A_166 = arith.constant 48 : index
          %swap3A_167 = tpu.vector_load %arg6[%swap3A_165, %swap3A_166] {strides = array<i32>} : memref<512x64xf32, #tpu.memory_space<vmem>>, vector<1x16xf32>,
          %swap3A_168 = vector.shape_cast %swap3A_167 : vector<1x16xf32> to vector<16xf32>
          %swap3A_169 = vector.shape_cast %mul3A_164 : vector<16xf32> to vector<1x16xf32>
          tpu.vector_store %arg6[%swap3A_165, %swap3A_166], %swap3A_169 {strides = array<i32>} : memref<512x64xf32, #tpu.memory_space<vmem>>, vector<1x16xf32>,
          %scan3A_170 = arith.constant 2 : i32
          %scan3A_171 = arith.addi %scan3A_73, %scan3A_170 : i32
          %get3A_172 = arith.index_cast %scan3A_171 : i32 to index
          %get3A_173 = arith.constant 0 : index
          %get3A_174 = tpu.vector_load %arg6[%get3A_172, %get3A_173] {strides = array<i32>} : memref<512x64xf32, #tpu.memory_space<vmem>>, vector<1x16xf32>,
          %get3A_175 = vector.shape_cast %get3A_174 : vector<1x16xf32> to vector<16xf32>
          %mul3A_176 = arith.constant 8.000000e+00 : f32
          %mul3A_177 = vector.broadcast %mul3A_176 : f32 to vector<16xf32>
          %mul3A_178 = arith.mulf %get3A_175, %mul3A_177 : vector<16xf32>
          %swap3A_179 = arith.index_cast %scan3A_171 : i32 to index
          %swap3A_180 = arith.constant 0 : index
          %swap3A_181 = tpu.vector_load %arg6[%swap3A_179, %swap3A_180] {strides = array<i32>} : memref<512x64xf32, #tpu.memory_space<vmem>>, vector<1x16xf32>,
          %swap3A_182 = vector.shape_cast %swap3A_181 : vector<1x16xf32> to vector<16xf32>
          %swap3A_183 = vector.shape_cast %mul3A_178 : vector<16xf32> to vector<1x16xf32>
          tpu.vector_store %arg6[%swap3A_179, %swap3A_180], %swap3A_183 {strides = array<i32>} : memref<512x64xf32, #tpu.memory_space<vmem>>, vector<1x16xf32>,
          %get3A_184 = arith.index_cast %scan3A_171 : i32 to index
          %get3A_185 = arith.constant 16 : index
          %get3A_186 = tpu.vector_load %arg6[%get3A_184, %get3A_185] {strides = array<i32>} : memref<512x64xf32, #tpu.memory_space<vmem>>, vector<1x16xf32>,
          %get3A_187 = vector.shape_cast %get3A_186 : vector<1x16xf32> to vector<16xf32>
          %mul3A_188 = arith.constant 8.000000e+00 : f32
          %mul3A_189 = vector.broadcast %mul3A_188 : f32 to vector<16xf32>
          %mul3A_190 = arith.mulf %get3A_187, %mul3A_189 : vector<16xf32>
          %swap3A_191 = arith.index_cast %scan3A_171 : i32 to index
          %swap3A_192 = arith.constant 16 : index
          %swap3A_193 = tpu.vector_load %arg6[%swap3A_191, %swap3A_192] {strides = array<i32>} : memref<512x64xf32, #tpu.memory_space<vmem>>, vector<1x16xf32>,
          %swap3A_194 = vector.shape_cast %swap3A_193 : vector<1x16xf32> to vector<16xf32>
          %swap3A_195 = vector.shape_cast %mul3A_190 : vector<16xf32> to vector<1x16xf32>
          tpu.vector_store %arg6[%swap3A_191, %swap3A_192], %swap3A_195 {strides = array<i32>} : memref<512x64xf32, #tpu.memory_space<vmem>>, vector<1x16xf32>,
          %get3A_196 = arith.index_cast %scan3A_171 : i32 to index
          %get3A_197 = arith.constant 32 : index
          %get3A_198 = tpu.vector_load %arg6[%get3A_196, %get3A_197] {strides = array<i32>} : memref<512x64xf32, #tpu.memory_space<vmem>>, vector<1x16xf32>,
          %get3A_199 = vector.shape_cast %get3A_198 : vector<1x16xf32> to vector<16xf32>
          %mul3A_200 = arith.constant 8.000000e+00 : f32
          %mul3A_201 = vector.broadcast %mul3A_200 : f32 to vector<16xf32>
          %mul3A_202 = arith.mulf %get3A_199, %mul3A_201 : vector<16xf32>
          %swap3A_203 = arith.index_cast %scan3A_171 : i32 to index
          %swap3A_204 = arith.constant 32 : index
          %swap3A_205 = tpu.vector_load %arg6[%swap3A_203, %swap3A_204] {strides = array<i32>} : memref<512x64xf32, #tpu.memory_space<vmem>>, vector<1x16xf32>,
          %swap3A_206 = vector.shape_cast %swap3A_205 : vector<1x16xf32> to vector<16xf32>
          %swap3A_207 = vector.shape_cast %mul3A_202 : vector<16xf32> to vector<1x16xf32>
          tpu.vector_store %arg6[%swap3A_203, %swap3A_204], %swap3A_207 {strides = array<i32>} : memref<512x64xf32, #tpu.memory_space<vmem>>, vector<1x16xf32>,
          %get3A_208 = arith.index_cast %scan3A_171 : i32 to index
          %get3A_209 = arith.constant 48 : index
          %get3A_210 = tpu.vector_load %arg6[%get3A_208, %get3A_209] {strides = array<i32>} : memref<512x64xf32, #tpu.memory_space<vmem>>, vector<1x16xf32>,
          %get3A_211 = vector.shape_cast %get3A_210 : vector<1x16xf32> to vector<16xf32>
          %mul3A_212 = arith.constant 8.000000e+00 : f32
          %mul3A_213 = vector.broadcast %mul3A_212 : f32 to vector<16xf32>
          %mul3A_214 = arith.mulf %get3A_211, %mul3A_213 : vector<16xf32>
          %swap3A_215 = arith.index_cast %scan3A_171 : i32 to index
          %swap3A_216 = arith.constant 48 : index
          %swap3A_217 = tpu.vector_load %arg6[%swap3A_215, %swap3A_216] {strides = array<i32>} : memref<512x64xf32, #tpu.memory_space<vmem>>, vector<1x16xf32>,
          %swap3A_218 = vector.shape_cast %swap3A_217 : vector<1x16xf32> to vector<16xf32>
          %swap3A_219 = vector.shape_cast %mul3A_214 : vector<16xf32> to vector<1x16xf32>
          tpu.vector_store %arg6[%swap3A_215, %swap3A_216], %swap3A_219 {strides = array<i32>} : memref<512x64xf32, #tpu.memory_space<vmem>>, vector<1x16xf32>,
          %scan3A_220 = arith.constant 3 : i32
          %scan3A_221 = arith.addi %scan3A_73, %scan3A_220 : i32
          %get3A_222 = arith.index_cast %scan3A_221 : i32 to index
          %get3A_223 = arith.constant 0 : index
          %get3A_224 = tpu.vector_load %arg6[%get3A_222, %get3A_223] {strides = array<i32>} : memref<512x64xf32, #tpu.memory_space<vmem>>, vector<1x16xf32>,
          %get3A_225 = vector.shape_cast %get3A_224 : vector<1x16xf32> to vector<16xf32>
          %mul3A_226 = arith.constant 8.000000e+00 : f32
          %mul3A_227 = vector.broadcast %mul3A_226 : f32 to vector<16xf32>
          %mul3A_228 = arith.mulf %get3A_225, %mul3A_227 : vector<16xf32>
          %swap3A_229 = arith.index_cast %scan3A_221 : i32 to index
          %swap3A_230 = arith.constant 0 : index
          %swap3A_231 = tpu.vector_load %arg6[%swap3A_229, %swap3A_230] {strides = array<i32>} : memref<512x64xf32, #tpu.memory_space<vmem>>, vector<1x16xf32>,
          %swap3A_232 = vector.shape_cast %swap3A_231 : vector<1x16xf32> to vector<16xf32>
          %swap3A_233 = vector.shape_cast %mul3A_228 : vector<16xf32> to vector<1x16xf32>
          tpu.vector_store %arg6[%swap3A_229, %swap3A_230], %swap3A_233 {strides = array<i32>} : memref<512x64xf32, #tpu.memory_space<vmem>>, vector<1x16xf32>,
          %get3A_234 = arith.index_cast %scan3A_221 : i32 to index
          %get3A_235 = arith.constant 16 : index
          %get3A_236 = tpu.vector_load %arg6[%get3A_234, %get3A_235] {strides = array<i32>} : memref<512x64xf32, #tpu.memory_space<vmem>>, vector<1x16xf32>,
          %get3A_237 = vector.shape_cast %get3A_236 : vector<1x16xf32> to vector<16xf32>
          %mul3A_238 = arith.constant 8.000000e+00 : f32
          %mul3A_239 = vector.broadcast %mul3A_238 : f32 to vector<16xf32>
          %mul3A_240 = arith.mulf %get3A_237, %mul3A_239 : vector<16xf32>
          %swap3A_241 = arith.index_cast %scan3A_221 : i32 to index
          %swap3A_242 = arith.constant 16 : index
          %swap3A_243 = tpu.vector_load %arg6[%swap3A_241, %swap3A_242] {strides = array<i32>} : memref<512x64xf32, #tpu.memory_space<vmem>>, vector<1x16xf32>,
          %swap3A_244 = vector.shape_cast %swap3A_243 : vector<1x16xf32> to vector<16xf32>
          %swap3A_245 = vector.shape_cast %mul3A_240 : vector<16xf32> to vector<1x16xf32>
          tpu.vector_store %arg6[%swap3A_241, %swap3A_242], %swap3A_245 {strides = array<i32>} : memref<512x64xf32, #tpu.memory_space<vmem>>, vector<1x16xf32>,
          %get3A_246 = arith.index_cast %scan3A_221 : i32 to index
          %get3A_247 = arith.constant 32 : index
          %get3A_248 = tpu.vector_load %arg6[%get3A_246, %get3A_247] {strides = array<i32>} : memref<512x64xf32, #tpu.memory_space<vmem>>, vector<1x16xf32>,
          %get3A_249 = vector.shape_cast %get3A_248 : vector<1x16xf32> to vector<16xf32>
          %mul3A_250 = arith.constant 8.000000e+00 : f32
          %mul3A_251 = vector.broadcast %mul3A_250 : f32 to vector<16xf32>
          %mul3A_252 = arith.mulf %get3A_249, %mul3A_251 : vector<16xf32>
          %swap3A_253 = arith.index_cast %scan3A_221 : i32 to index
          %swap3A_254 = arith.constant 32 : index
          %swap3A_255 = tpu.vector_load %arg6[%swap3A_253, %swap3A_254] {strides = array<i32>} : memref<512x64xf32, #tpu.memory_space<vmem>>, vector<1x16xf32>,
          %swap3A_256 = vector.shape_cast %swap3A_255 : vector<1x16xf32> to vector<16xf32>
          %swap3A_257 = vector.shape_cast %mul3A_252 : vector<16xf32> to vector<1x16xf32>
          tpu.vector_store %arg6[%swap3A_253, %swap3A_254], %swap3A_257 {strides = array<i32>} : memref<512x64xf32, #tpu.memory_space<vmem>>, vector<1x16xf32>,
          %get3A_258 = arith.index_cast %scan3A_221 : i32 to index
          %get3A_259 = arith.constant 48 : index
          %get3A_260 = tpu.vector_load %arg6[%get3A_258, %get3A_259] {strides = array<i32>} : memref<512x64xf32, #tpu.memory_space<vmem>>, vector<1x16xf32>,
          %get3A_261 = vector.shape_cast %get3A_260 : vector<1x16xf32> to vector<16xf32>
          %mul3A_262 = arith.constant 8.000000e+00 : f32
          %mul3A_263 = vector.broadcast %mul3A_262 : f32 to vector<16xf32>
          %mul3A_264 = arith.mulf %get3A_261, %mul3A_263 : vector<16xf32>
          %swap3A_265 = arith.index_cast %scan3A_221 : i32 to index
          %swap3A_266 = arith.constant 48 : index
          %swap3A_267 = tpu.vector_load %arg6[%swap3A_265, %swap3A_266] {strides = array<i32>} : memref<512x64xf32, #tpu.memory_space<vmem>>, vector<1x16xf32>,
          %swap3A_268 = vector.shape_cast %swap3A_267 : vector<1x16xf32> to vector<16xf32>
          %swap3A_269 = vector.shape_cast %mul3A_264 : vector<16xf32> to vector<1x16xf32>
          tpu.vector_store %arg6[%swap3A_265, %swap3A_266], %swap3A_269 {strides = array<i32>} : memref<512x64xf32, #tpu.memory_space<vmem>>, vector<1x16xf32>,
          %scan3A_270 = arith.constant 4 : i32
          %scan3A_271 = arith.addi %scan3A_73, %scan3A_270 : i32
          %get3A_272 = arith.index_cast %scan3A_271 : i32 to index
          %get3A_273 = arith.constant 0 : index
          %get3A_274 = tpu.vector_load %arg6[%get3A_272, %get3A_273] {strides = array<i32>} : memref<512x64xf32, #tpu.memory_space<vmem>>, vector<1x16xf32>,
          %get3A_275 = vector.shape_cast %get3A_274 : vector<1x16xf32> to vector<16xf32>
          %mul3A_276 = arith.constant 8.000000e+00 : f32
          %mul3A_277 = vector.broadcast %mul3A_276 : f32 to vector<16xf32>
          %mul3A_278 = arith.mulf %get3A_275, %mul3A_277 : vector<16xf32>
          %swap3A_279 = arith.index_cast %scan3A_271 : i32 to index
          %swap3A_280 = arith.constant 0 : index
          %swap3A_281 = tpu.vector_load %arg6[%swap3A_279, %swap3A_280] {strides = array<i32>} : memref<512x64xf32, #tpu.memory_space<vmem>>, vector<1x16xf32>,
          %swap3A_282 = vector.shape_cast %swap3A_281 : vector<1x16xf32> to vector<16xf32>
          %swap3A_283 = vector.shape_cast %mul3A_278 : vector<16xf32> to vector<1x16xf32>
          tpu.vector_store %arg6[%swap3A_279, %swap3A_280], %swap3A_283 {strides = array<i32>} : memref<512x64xf32, #tpu.memory_space<vmem>>, vector<1x16xf32>,
          %get3A_284 = arith.index_cast %scan3A_271 : i32 to index
          %get3A_285 = arith.constant 16 : index
          %get3A_286 = tpu.vector_load %arg6[%get3A_284, %get3A_285] {strides = array<i32>} : memref<512x64xf32, #tpu.memory_space<vmem>>, vector<1x16xf32>,
          %get3A_287 = vector.shape_cast %get3A_286 : vector<1x16xf32> to vector<16xf32>
          %mul3A_288 = arith.constant 8.000000e+00 : f32
          %mul3A_289 = vector.broadcast %mul3A_288 : f32 to vector<16xf32>
          %mul3A_290 = arith.mulf %get3A_287, %mul3A_289 : vector<16xf32>
          %swap3A_291 = arith.index_cast %scan3A_271 : i32 to index
          %swap3A_292 = arith.constant 16 : index
          %swap3A_293 = tpu.vector_load %arg6[%swap3A_291, %swap3A_292] {strides = array<i32>} : memref<512x64xf32, #tpu.memory_space<vmem>>, vector<1x16xf32>,
          %swap3A_294 = vector.shape_cast %swap3A_293 : vector<1x16xf32> to vector<16xf32>
          %swap3A_295 = vector.shape_cast %mul3A_290 : vector<16xf32> to vector<1x16xf32>
          tpu.vector_store %arg6[%swap3A_291, %swap3A_292], %swap3A_295 {strides = array<i32>} : memref<512x64xf32, #tpu.memory_space<vmem>>, vector<1x16xf32>,
          %get3A_296 = arith.index_cast %scan3A_271 : i32 to index
          %get3A_297 = arith.constant 32 : index
          %get3A_298 = tpu.vector_load %arg6[%get3A_296, %get3A_297] {strides = array<i32>} : memref<512x64xf32, #tpu.memory_space<vmem>>, vector<1x16xf32>,
          %get3A_299 = vector.shape_cast %get3A_298 : vector<1x16xf32> to vector<16xf32>
          %mul3A_300 = arith.constant 8.000000e+00 : f32
          %mul3A_301 = vector.broadcast %mul3A_300 : f32 to vector<16xf32>
          %mul3A_302 = arith.mulf %get3A_299, %mul3A_301 : vector<16xf32>
          %swap3A_303 = arith.index_cast %scan3A_271 : i32 to index
          %swap3A_304 = arith.constant 32 : index
          %swap3A_305 = tpu.vector_load %arg6[%swap3A_303, %swap3A_304] {strides = array<i32>} : memref<512x64xf32, #tpu.memory_space<vmem>>, vector<1x16xf32>,
          %swap3A_306 = vector.shape_cast %swap3A_305 : vector<1x16xf32> to vector<16xf32>
          %swap3A_307 = vector.shape_cast %mul3A_302 : vector<16xf32> to vector<1x16xf32>
          tpu.vector_store %arg6[%swap3A_303, %swap3A_304], %swap3A_307 {strides = array<i32>} : memref<512x64xf32, #tpu.memory_space<vmem>>, vector<1x16xf32>,
          %get3A_308 = arith.index_cast %scan3A_271 : i32 to index
          %get3A_309 = arith.constant 48 : index
          %get3A_310 = tpu.vector_load %arg6[%get3A_308, %get3A_309] {strides = array<i32>} : memref<512x64xf32, #tpu.memory_space<vmem>>, vector<1x16xf32>,
          %get3A_311 = vector.shape_cast %get3A_310 : vector<1x16xf32> to vector<16xf32>
          %mul3A_312 = arith.constant 8.000000e+00 : f32
          %mul3A_313 = vector.broadcast %mul3A_312 : f32 to vector<16xf32>
          %mul3A_314 = arith.mulf %get3A_311, %mul3A_313 : vector<16xf32>
          %swap3A_315 = arith.index_cast %scan3A_271 : i32 to index
          %swap3A_316 = arith.constant 48 : index
          %swap3A_317 = tpu.vector_load %arg6[%swap3A_315, %swap3A_316] {strides = array<i32>} : memref<512x64xf32, #tpu.memory_space<vmem>>, vector<1x16xf32>,
          %swap3A_318 = vector.shape_cast %swap3A_317 : vector<1x16xf32> to vector<16xf32>
          %swap3A_319 = vector.shape_cast %mul3A_314 : vector<16xf32> to vector<1x16xf32>
          tpu.vector_store %arg6[%swap3A_315, %swap3A_316], %swap3A_319 {strides = array<i32>} : memref<512x64xf32, #tpu.memory_space<vmem>>, vector<1x16xf32>,
          %scan3A_320 = arith.constant 5 : i32
          %scan3A_321 = arith.addi %scan3A_73, %scan3A_320 : i32
          %get3A_322 = arith.index_cast %scan3A_321 : i32 to index
          %get3A_323 = arith.constant 0 : index
          %get3A_324 = tpu.vector_load %arg6[%get3A_322, %get3A_323] {strides = array<i32>} : memref<512x64xf32, #tpu.memory_space<vmem>>, vector<1x16xf32>,
          %get3A_325 = vector.shape_cast %get3A_324 : vector<1x16xf32> to vector<16xf32>
          %mul3A_326 = arith.constant 8.000000e+00 : f32
          %mul3A_327 = vector.broadcast %mul3A_326 : f32 to vector<16xf32>
          %mul3A_328 = arith.mulf %get3A_325, %mul3A_327 : vector<16xf32>
          %swap3A_329 = arith.index_cast %scan3A_321 : i32 to index
          %swap3A_330 = arith.constant 0 : index
          %swap3A_331 = tpu.vector_load %arg6[%swap3A_329, %swap3A_330] {strides = array<i32>} : memref<512x64xf32, #tpu.memory_space<vmem>>, vector<1x16xf32>,
          %swap3A_332 = vector.shape_cast %swap3A_331 : vector<1x16xf32> to vector<16xf32>
          %swap3A_333 = vector.shape_cast %mul3A_328 : vector<16xf32> to vector<1x16xf32>
          tpu.vector_store %arg6[%swap3A_329, %swap3A_330], %swap3A_333 {strides = array<i32>} : memref<512x64xf32, #tpu.memory_space<vmem>>, vector<1x16xf32>,
          %get3A_334 = arith.index_cast %scan3A_321 : i32 to index
          %get3A_335 = arith.constant 16 : index
          %get3A_336 = tpu.vector_load %arg6[%get3A_334, %get3A_335] {strides = array<i32>} : memref<512x64xf32, #tpu.memory_space<vmem>>, vector<1x16xf32>,
          %get3A_337 = vector.shape_cast %get3A_336 : vector<1x16xf32> to vector<16xf32>
          %mul3A_338 = arith.constant 8.000000e+00 : f32
          %mul3A_339 = vector.broadcast %mul3A_338 : f32 to vector<16xf32>
          %mul3A_340 = arith.mulf %get3A_337, %mul3A_339 : vector<16xf32>
          %swap3A_341 = arith.index_cast %scan3A_321 : i32 to index
          %swap3A_342 = arith.constant 16 : index
          %swap3A_343 = tpu.vector_load %arg6[%swap3A_341, %swap3A_342] {strides = array<i32>} : memref<512x64xf32, #tpu.memory_space<vmem>>, vector<1x16xf32>,
          %swap3A_344 = vector.shape_cast %swap3A_343 : vector<1x16xf32> to vector<16xf32>
          %swap3A_345 = vector.shape_cast %mul3A_340 : vector<16xf32> to vector<1x16xf32>
          tpu.vector_store %arg6[%swap3A_341, %swap3A_342], %swap3A_345 {strides = array<i32>} : memref<512x64xf32, #tpu.memory_space<vmem>>, vector<1x16xf32>,
          %get3A_346 = arith.index_cast %scan3A_321 : i32 to index
          %get3A_347 = arith.constant 32 : index
          %get3A_348 = tpu.vector_load %arg6[%get3A_346, %get3A_347] {strides = array<i32>} : memref<512x64xf32, #tpu.memory_space<vmem>>, vector<1x16xf32>,
          %get3A_349 = vector.shape_cast %get3A_348 : vector<1x16xf32> to vector<16xf32>
          %mul3A_350 = arith.constant 8.000000e+00 : f32
          %mul3A_351 = vector.broadcast %mul3A_350 : f32 to vector<16xf32>
          %mul3A_352 = arith.mulf %get3A_349, %mul3A_351 : vector<16xf32>
          %swap3A_353 = arith.index_cast %scan3A_321 : i32 to index
          %swap3A_354 = arith.constant 32 : index
          %swap3A_355 = tpu.vector_load %arg6[%swap3A_353, %swap3A_354] {strides = array<i32>} : memref<512x64xf32, #tpu.memory_space<vmem>>, vector<1x16xf32>,
          %swap3A_356 = vector.shape_cast %swap3A_355 : vector<1x16xf32> to vector<16xf32>
          %swap3A_357 = vector.shape_cast %mul3A_352 : vector<16xf32> to vector<1x16xf32>
          tpu.vector_store %arg6[%swap3A_353, %swap3A_354], %swap3A_357 {strides = array<i32>} : memref<512x64xf32, #tpu.memory_space<vmem>>, vector<1x16xf32>,
          %get3A_358 = arith.index_cast %scan3A_321 : i32 to index
          %get3A_359 = arith.constant 48 : index
          %get3A_360 = tpu.vector_load %arg6[%get3A_358, %get3A_359] {strides = array<i32>} : memref<512x64xf32, #tpu.memory_space<vmem>>, vector<1x16xf32>,
          %get3A_361 = vector.shape_cast %get3A_360 : vector<1x16xf32> to vector<16xf32>
          %mul3A_362 = arith.constant 8.000000e+00 : f32
          %mul3A_363 = vector.broadcast %mul3A_362 : f32 to vector<16xf32>
          %mul3A_364 = arith.mulf %get3A_361, %mul3A_363 : vector<16xf32>
          %swap3A_365 = arith.index_cast %scan3A_321 : i32 to index
          %swap3A_366 = arith.constant 48 : index
          %swap3A_367 = tpu.vector_load %arg6[%swap3A_365, %swap3A_366] {strides = array<i32>} : memref<512x64xf32, #tpu.memory_space<vmem>>, vector<1x16xf32>,
          %swap3A_368 = vector.shape_cast %swap3A_367 : vector<1x16xf32> to vector<16xf32>
          %swap3A_369 = vector.shape_cast %mul3A_364 : vector<16xf32> to vector<1x16xf32>
          tpu.vector_store %arg6[%swap3A_365, %swap3A_366], %swap3A_369 {strides = array<i32>} : memref<512x64xf32, #tpu.memory_space<vmem>>, vector<1x16xf32>,
          %scan3A_370 = arith.constant 6 : i32
          %scan3A_371 = arith.addi %scan3A_73, %scan3A_370 : i32
          %get3A_372 = arith.index_cast %scan3A_371 : i32 to index
          %get3A_373 = arith.constant 0 : index
          %get3A_374 = tpu.vector_load %arg6[%get3A_372, %get3A_373] {strides = array<i32>} : memref<512x64xf32, #tpu.memory_space<vmem>>, vector<1x16xf32>,
          %get3A_375 = vector.shape_cast %get3A_374 : vector<1x16xf32> to vector<16xf32>
          %mul3A_376 = arith.constant 8.000000e+00 : f32
          %mul3A_377 = vector.broadcast %mul3A_376 : f32 to vector<16xf32>
          %mul3A_378 = arith.mulf %get3A_375, %mul3A_377 : vector<16xf32>
          %swap3A_379 = arith.index_cast %scan3A_371 : i32 to index
          %swap3A_380 = arith.constant 0 : index
          %swap3A_381 = tpu.vector_load %arg6[%swap3A_379, %swap3A_380] {strides = array<i32>} : memref<512x64xf32, #tpu.memory_space<vmem>>, vector<1x16xf32>,
          %swap3A_382 = vector.shape_cast %swap3A_381 : vector<1x16xf32> to vector<16xf32>
          %swap3A_383 = vector.shape_cast %mul3A_378 : vector<16xf32> to vector<1x16xf32>
          tpu.vector_store %arg6[%swap3A_379, %swap3A_380], %swap3A_383 {strides = array<i32>} : memref<512x64xf32, #tpu.memory_space<vmem>>, vector<1x16xf32>,
          %get3A_384 = arith.index_cast %scan3A_371 : i32 to index
          %get3A_385 = arith.constant 16 : index
          %get3A_386 = tpu.vector_load %arg6[%get3A_384, %get3A_385] {strides = array<i32>} : memref<512x64xf32, #tpu.memory_space<vmem>>, vector<1x16xf32>,
          %get3A_387 = vector.shape_cast %get3A_386 : vector<1x16xf32> to vector<16xf32>
          %mul3A_388 = arith.constant 8.000000e+00 : f32
          %mul3A_389 = vector.broadcast %mul3A_388 : f32 to vector<16xf32>
          %mul3A_390 = arith.mulf %get3A_387, %mul3A_389 : vector<16xf32>
          %swap3A_391 = arith.index_cast %scan3A_371 : i32 to index
          %swap3A_392 = arith.constant 16 : index
          %swap3A_393 = tpu.vector_load %arg6[%swap3A_391, %swap3A_392] {strides = array<i32>} : memref<512x64xf32, #tpu.memory_space<vmem>>, vector<1x16xf32>,
          %swap3A_394 = vector.shape_cast %swap3A_393 : vector<1x16xf32> to vector<16xf32>
          %swap3A_395 = vector.shape_cast %mul3A_390 : vector<16xf32> to vector<1x16xf32>
          tpu.vector_store %arg6[%swap3A_391, %swap3A_392], %swap3A_395 {strides = array<i32>} : memref<512x64xf32, #tpu.memory_space<vmem>>, vector<1x16xf32>,
          %get3A_396 = arith.index_cast %scan3A_371 : i32 to index
          %get3A_397 = arith.constant 32 : index
          %get3A_398 = tpu.vector_load %arg6[%get3A_396, %get3A_397] {strides = array<i32>} : memref<512x64xf32, #tpu.memory_space<vmem>>, vector<1x16xf32>,
          %get3A_399 = vector.shape_cast %get3A_398 : vector<1x16xf32> to vector<16xf32>
          %mul3A_400 = arith.constant 8.000000e+00 : f32
          %mul3A_401 = vector.broadcast %mul3A_400 : f32 to vector<16xf32>
          %mul3A_402 = arith.mulf %get3A_399, %mul3A_401 : vector<16xf32>
          %swap3A_403 = arith.index_cast %scan3A_371 : i32 to index
          %swap3A_404 = arith.constant 32 : index
          %swap3A_405 = tpu.vector_load %arg6[%swap3A_403, %swap3A_404] {strides = array<i32>} : memref<512x64xf32, #tpu.memory_space<vmem>>, vector<1x16xf32>,
          %swap3A_406 = vector.shape_cast %swap3A_405 : vector<1x16xf32> to vector<16xf32>
          %swap3A_407 = vector.shape_cast %mul3A_402 : vector<16xf32> to vector<1x16xf32>
          tpu.vector_store %arg6[%swap3A_403, %swap3A_404], %swap3A_407 {strides = array<i32>} : memref<512x64xf32, #tpu.memory_space<vmem>>, vector<1x16xf32>,
          %get3A_408 = arith.index_cast %scan3A_371 : i32 to index
          %get3A_409 = arith.constant 48 : index
          %get3A_410 = tpu.vector_load %arg6[%get3A_408, %get3A_409] {strides = array<i32>} : memref<512x64xf32, #tpu.memory_space<vmem>>, vector<1x16xf32>,
          %get3A_411 = vector.shape_cast %get3A_410 : vector<1x16xf32> to vector<16xf32>
          %mul3A_412 = arith.constant 8.000000e+00 : f32
          %mul3A_413 = vector.broadcast %mul3A_412 : f32 to vector<16xf32>
          %mul3A_414 = arith.mulf %get3A_411, %mul3A_413 : vector<16xf32>
          %swap3A_415 = arith.index_cast %scan3A_371 : i32 to index
          %swap3A_416 = arith.constant 48 : index
          %swap3A_417 = tpu.vector_load %arg6[%swap3A_415, %swap3A_416] {strides = array<i32>} : memref<512x64xf32, #tpu.memory_space<vmem>>, vector<1x16xf32>,
          %swap3A_418 = vector.shape_cast %swap3A_417 : vector<1x16xf32> to vector<16xf32>
          %swap3A_419 = vector.shape_cast %mul3A_414 : vector<16xf32> to vector<1x16xf32>
          tpu.vector_store %arg6[%swap3A_415, %swap3A_416], %swap3A_419 {strides = array<i32>} : memref<512x64xf32, #tpu.memory_space<vmem>>, vector<1x16xf32>,
          %scan3A_420 = arith.constant 7 : i32
          %scan3A_421 = arith.addi %scan3A_73, %scan3A_420 : i32
          %get3A_422 = arith.index_cast %scan3A_421 : i32 to index
          %get3A_423 = arith.constant 0 : index
          %get3A_424 = tpu.vector_load %arg6[%get3A_422, %get3A_423] {strides = array<i32>} : memref<512x64xf32, #tpu.memory_space<vmem>>, vector<1x16xf32>,
          %get3A_425 = vector.shape_cast %get3A_424 : vector<1x16xf32> to vector<16xf32>
          %mul3A_426 = arith.constant 8.000000e+00 : f32
          %mul3A_427 = vector.broadcast %mul3A_426 : f32 to vector<16xf32>
          %mul3A_428 = arith.mulf %get3A_425, %mul3A_427 : vector<16xf32>
          %swap3A_429 = arith.index_cast %scan3A_421 : i32 to index
          %swap3A_430 = arith.constant 0 : index
          %swap3A_431 = tpu.vector_load %arg6[%swap3A_429, %swap3A_430] {strides = array<i32>} : memref<512x64xf32, #tpu.memory_space<vmem>>, vector<1x16xf32>,
          %swap3A_432 = vector.shape_cast %swap3A_431 : vector<1x16xf32> to vector<16xf32>
          %swap3A_433 = vector.shape_cast %mul3A_428 : vector<16xf32> to vector<1x16xf32>
          tpu.vector_store %arg6[%swap3A_429, %swap3A_430], %swap3A_433 {strides = array<i32>} : memref<512x64xf32, #tpu.memory_space<vmem>>, vector<1x16xf32>,
          %get3A_434 = arith.index_cast %scan3A_421 : i32 to index
          %get3A_435 = arith.constant 16 : index
          %get3A_436 = tpu.vector_load %arg6[%get3A_434, %get3A_435] {strides = array<i32>} : memref<512x64xf32, #tpu.memory_space<vmem>>, vector<1x16xf32>,
          %get3A_437 = vector.shape_cast %get3A_436 : vector<1x16xf32> to vector<16xf32>
          %mul3A_438 = arith.constant 8.000000e+00 : f32
          %mul3A_439 = vector.broadcast %mul3A_438 : f32 to vector<16xf32>
          %mul3A_440 = arith.mulf %get3A_437, %mul3A_439 : vector<16xf32>
          %swap3A_441 = arith.index_cast %scan3A_421 : i32 to index
          %swap3A_442 = arith.constant 16 : index
          %swap3A_443 = tpu.vector_load %arg6[%swap3A_441, %swap3A_442] {strides = array<i32>} : memref<512x64xf32, #tpu.memory_space<vmem>>, vector<1x16xf32>,
          %swap3A_444 = vector.shape_cast %swap3A_443 : vector<1x16xf32> to vector<16xf32>
          %swap3A_445 = vector.shape_cast %mul3A_440 : vector<16xf32> to vector<1x16xf32>
          tpu.vector_store %arg6[%swap3A_441, %swap3A_442], %swap3A_445 {strides = array<i32>} : memref<512x64xf32, #tpu.memory_space<vmem>>, vector<1x16xf32>,
          %get3A_446 = arith.index_cast %scan3A_421 : i32 to index
          %get3A_447 = arith.constant 32 : index
          %get3A_448 = tpu.vector_load %arg6[%get3A_446, %get3A_447] {strides = array<i32>} : memref<512x64xf32, #tpu.memory_space<vmem>>, vector<1x16xf32>,
          %get3A_449 = vector.shape_cast %get3A_448 : vector<1x16xf32> to vector<16xf32>
          %mul3A_450 = arith.constant 8.000000e+00 : f32
          %mul3A_451 = vector.broadcast %mul3A_450 : f32 to vector<16xf32>
          %mul3A_452 = arith.mulf %get3A_449, %mul3A_451 : vector<16xf32>
          %swap3A_453 = arith.index_cast %scan3A_421 : i32 to index
          %swap3A_454 = arith.constant 32 : index
          %swap3A_455 = tpu.vector_load %arg6[%swap3A_453, %swap3A_454] {strides = array<i32>} : memref<512x64xf32, #tpu.memory_space<vmem>>, vector<1x16xf32>,
          %swap3A_456 = vector.shape_cast %swap3A_455 : vector<1x16xf32> to vector<16xf32>
          %swap3A_457 = vector.shape_cast %mul3A_452 : vector<16xf32> to vector<1x16xf32>
          tpu.vector_store %arg6[%swap3A_453, %swap3A_454], %swap3A_457 {strides = array<i32>} : memref<512x64xf32, #tpu.memory_space<vmem>>, vector<1x16xf32>,
          %get3A_458 = arith.index_cast %scan3A_421 : i32 to index
          %get3A_459 = arith.constant 48 : index
          %get3A_460 = tpu.vector_load %arg6[%get3A_458, %get3A_459] {strides = array<i32>} : memref<512x64xf32, #tpu.memory_space<vmem>>, vector<1x16xf32>,
          %get3A_461 = vector.shape_cast %get3A_460 : vector<1x16xf32> to vector<16xf32>
          %mul3A_462 = arith.constant 8.000000e+00 : f32
          %mul3A_463 = vector.broadcast %mul3A_462 : f32 to vector<16xf32>
          %mul3A_464 = arith.mulf %get3A_461, %mul3A_463 : vector<16xf32>
          %swap3A_465 = arith.index_cast %scan3A_421 : i32 to index
          %swap3A_466 = arith.constant 48 : index
          %swap3A_467 = tpu.vector_load %arg6[%swap3A_465, %swap3A_466] {strides = array<i32>} : memref<512x64xf32, #tpu.memory_space<vmem>>, vector<1x16xf32>,
          %swap3A_468 = vector.shape_cast %swap3A_467 : vector<1x16xf32> to vector<16xf32>
          %swap3A_469 = vector.shape_cast %mul3A_464 : vector<16xf32> to vector<1x16xf32>
          tpu.vector_store %arg6[%swap3A_465, %swap3A_466], %swap3A_469 {strides = array<i32>} : memref<512x64xf32, #tpu.memory_space<vmem>>, vector<1x16xf32>,
        }
        %scan3A_65 = arith.constant 512 : i32
        %mul3A_66 = arith.constant 512 : i32
        %mul3A_67 = arith.muli %add3A_27, %mul3A_66 : i32
        %add3A_68 = arith.addi %mul3A_2, %mul3A_67 : i32
        %dma_start3A_69 = arith.constant 0 : i32
        %dma_start3A_70 = tpu.memref_slice %arg4[%add3A_68, %dma_start3A_69] : memref<819200x128xf32, #tpu.memory_space<hbm>> -> memref<512x64xf32, #tpu.memory_space<hbm>>
        %dma_start3A_71 = arith.constant 0 : i32
        %dma_start3A_72 = tpu.memref_slice %arg4[%add3A_68, %dma_start3A_71] : memref<819200x128xf32, #tpu.memory_space<hbm>> -> memref<512x64xf32, #tpu.memory_space<hbm>>
        tpu.enqueue_dma source(%arg6 : memref<512x64xf32, #tpu.memory_space<vmem>>) target(%dma_start3A_72 : memref<512x64xf32, #tpu.memory_space<hbm>>) target_semaphore(%arg12 : memref<!tpu.dma_semaphore, #tpu.memory_space<semaphore_mem>>)
      } else {
      }
      %mul3A_30 = arith.constant 3 : i32
      %mul3A_31 = arith.muli %scan3A_23, %mul3A_30 : i32
      %add3A_32 = arith.constant 1 : i32
      %add3A_33 = arith.addi %mul3A_31, %add3A_32 : i32
      %lt3A_34 = arith.constant 50 : i32
      %lt3A_35 = arith.cmpi slt, %add3A_33, %lt3A_34 : i32
      %convert_element_type3A_36 = arith.extui %lt3A_35 : i1 to i32
      %cond3A_37 = arith.constant 0 : i32
      %cond3A_38 = arith.cmpi ne, %convert_element_type3A_36, %cond3A_37 : i32
      scf.if %cond3A_38 {
        %add3A_48 = arith.constant 1 : i32
        %add3A_49 = arith.addi %add3A_33, %add3A_48 : i32
        %lt3A_50 = arith.constant 50 : i32
        %lt3A_51 = arith.cmpi slt, %add3A_49, %lt3A_50 : i32
        %convert_element_type3A_52 = arith.extui %lt3A_51 : i1 to i32
        %cond3A_53 = arith.constant 0 : i32
        %cond3A_54 = arith.cmpi ne, %convert_element_type3A_52, %cond3A_53 : i32
        scf.if %cond3A_54 {
          %add3A_73 = arith.constant 1 : i32
          %add3A_74 = arith.addi %add3A_33, %add3A_73 : i32
          %ge3A = arith.constant 3 : i32
          %ge3A_75 = arith.cmpi sge, %add3A_74, %ge3A : i32
          %convert_element_type3A_76 = arith.extui %ge3A_75 : i1 to i32
          %cond3A_77 = arith.constant 0 : i32
          %cond3A_78 = arith.cmpi ne, %convert_element_type3A_76, %cond3A_77 : i32
          scf.if %cond3A_78 {
            %dma_wait3A_87 = arith.constant 0 : i32
            %dma_wait3A_88 = tpu.memref_slice %arg4[%mul3A_2, %dma_wait3A_87] : memref<819200x128xf32, #tpu.memory_space<hbm>> -> memref<512x64xf32, #tpu.memory_space<hbm>>
            %dma_wait3A_89 = arith.constant 0 : i32
            %dma_wait3A_90 = tpu.memref_slice %arg4[%mul3A_2, %dma_wait3A_89] : memref<819200x128xf32, #tpu.memory_space<hbm>> -> memref<512x64xf32, #tpu.memory_space<hbm>>
            tpu.wait_dma2 semaphore(%arg14 : memref<!tpu.dma_semaphore, #tpu.memory_space<semaphore_mem>>) src(%arg8 : memref<512x64xf32, #tpu.memory_space<vmem>>) dst(%dma_wait3A_90 : memref<512x64xf32, #tpu.memory_space<hbm>>)
          } else {
          }
          %add3A_79 = arith.constant 1 : i32
          %add3A_80 = arith.addi %add3A_33, %add3A_79 : i32
          %mul3A_81 = arith.constant 512 : i32
          %mul3A_82 = arith.muli %add3A_80, %mul3A_81 : i32
          %dma_start3A_83 = tpu.memref_slice %arg5[%mul3A_82] : memref<25600xi32, #tpu.memory_space<vmem>> -> memref<512xi32, #tpu.memory_space<vmem>>
          %dma_start3A_84 = arith.constant 0 : i32
          %dma_start3A_85 = arith.constant 0 : i32
          %dma_start3A_86 = tpu.memref_slice %arg3[%dma_start3A_84, %dma_start3A_85] : memref<1000000x64xf32, #tpu.memory_space<hbm>> -> memref<1000000x64xf32, #tpu.memory_space<hbm>>
          tpu.enqueue_indirect_dma source(%dma_start3A_86 : memref<1000000x64xf32, #tpu.memory_space<hbm>>) target(%arg8 : memref<512x64xf32, #tpu.memory_space<vmem>>) offsets(%dma_start3A_83 : memref<512xi32, #tpu.memory_space<vmem>>) semaphore(%arg11 : memref<!tpu.dma_semaphore, #tpu.memory_space<semaphore_mem>>)
        } else {
        }
        %dma_wait3A_55 = arith.constant 0 : i32
        %dma_wait3A_56 = tpu.memref_slice %arg5[%dma_wait3A_55] : memref<25600xi32, #tpu.memory_space<vmem>> -> memref<512xi32, #tpu.memory_space<vmem>>
        %dma_wait3A_57 = arith.constant 0 : i32
        %dma_wait3A_58 = arith.constant 0 : i32
        %dma_wait3A_59 = tpu.memref_slice %arg3[%dma_wait3A_57, %dma_wait3A_58] : memref<1000000x64xf32, #tpu.memory_space<hbm>> -> memref<1000000x64xf32, #tpu.memory_space<hbm>>
        tpu.wait_indirect_dma semaphore(%arg10 : memref<!tpu.dma_semaphore, #tpu.memory_space<semaphore_mem>>) src(%dma_wait3A_59 : memref<1000000x64xf32, #tpu.memory_space<hbm>>) dst(%arg7 : memref<512x64xf32, #tpu.memory_space<vmem>>)
        %scan3A_60 = arith.constant 0 : i32
        %scan3A_61 = arith.constant 0 : i32
        %scan3A_62 = arith.constant 512 : i32
        %scan3A_63 = arith.addi %scan3A_61, %scan3A_62 : i32
        %scan3A_64 = arith.constant 8 : i32
        scf.for %scan3A_73 = %scan3A_61 to %scan3A_63 step %scan3A_64  : i32 {
          %get3A = arith.index_cast %scan3A_73 : i32 to index
          %get3A_74 = arith.constant 0 : index
          %get3A_75 = tpu.vector_load %arg7[%get3A, %get3A_74] {strides = array<i32>} : memref<512x64xf32, #tpu.memory_space<vmem>>, vector<1x16xf32>,
          %get3A_76 = vector.shape_cast %get3A_75 : vector<1x16xf32> to vector<16xf32>
          %mul3A_77 = arith.constant 8.000000e+00 : f32
          %mul3A_78 = vector.broadcast %mul3A_77 : f32 to vector<16xf32>
          %mul3A_79 = arith.mulf %get3A_76, %mul3A_78 : vector<16xf32>
          %swap3A = arith.index_cast %scan3A_73 : i32 to index
          %swap3A_80 = arith.constant 0 : index
          %swap3A_81 = tpu.vector_load %arg7[%swap3A, %swap3A_80] {strides = array<i32>} : memref<512x64xf32, #tpu.memory_space<vmem>>, vector<1x16xf32>,
          %swap3A_82 = vector.shape_cast %swap3A_81 : vector<1x16xf32> to vector<16xf32>
          %swap3A_83 = vector.shape_cast %mul3A_79 : vector<16xf32> to vector<1x16xf32>
          tpu.vector_store %arg7[%swap3A, %swap3A_80], %swap3A_83 {strides = array<i32>} : memref<512x64xf32, #tpu.memory_space<vmem>>, vector<1x16xf32>,
          %get3A_84 = arith.index_cast %scan3A_73 : i32 to index
          %get3A_85 = arith.constant 16 : index
          %get3A_86 = tpu.vector_load %arg7[%get3A_84, %get3A_85] {strides = array<i32>} : memref<512x64xf32, #tpu.memory_space<vmem>>, vector<1x16xf32>,
          %get3A_87 = vector.shape_cast %get3A_86 : vector<1x16xf32> to vector<16xf32>
          %mul3A_88 = arith.constant 8.000000e+00 : f32
          %mul3A_89 = vector.broadcast %mul3A_88 : f32 to vector<16xf32>
          %mul3A_90 = arith.mulf %get3A_87, %mul3A_89 : vector<16xf32>
          %swap3A_91 = arith.index_cast %scan3A_73 : i32 to index
          %swap3A_92 = arith.constant 16 : index
          %swap3A_93 = tpu.vector_load %arg7[%swap3A_91, %swap3A_92] {strides = array<i32>} : memref<512x64xf32, #tpu.memory_space<vmem>>, vector<1x16xf32>,
          %swap3A_94 = vector.shape_cast %swap3A_93 : vector<1x16xf32> to vector<16xf32>
          %swap3A_95 = vector.shape_cast %mul3A_90 : vector<16xf32> to vector<1x16xf32>
          tpu.vector_store %arg7[%swap3A_91, %swap3A_92], %swap3A_95 {strides = array<i32>} : memref<512x64xf32, #tpu.memory_space<vmem>>, vector<1x16xf32>,
          %get3A_96 = arith.index_cast %scan3A_73 : i32 to index
          %get3A_97 = arith.constant 32 : index
          %get3A_98 = tpu.vector_load %arg7[%get3A_96, %get3A_97] {strides = array<i32>} : memref<512x64xf32, #tpu.memory_space<vmem>>, vector<1x16xf32>,
          %get3A_99 = vector.shape_cast %get3A_98 : vector<1x16xf32> to vector<16xf32>
          %mul3A_100 = arith.constant 8.000000e+00 : f32
          %mul3A_101 = vector.broadcast %mul3A_100 : f32 to vector<16xf32>
          %mul3A_102 = arith.mulf %get3A_99, %mul3A_101 : vector<16xf32>
          %swap3A_103 = arith.index_cast %scan3A_73 : i32 to index
          %swap3A_104 = arith.constant 32 : index
          %swap3A_105 = tpu.vector_load %arg7[%swap3A_103, %swap3A_104] {strides = array<i32>} : memref<512x64xf32, #tpu.memory_space<vmem>>, vector<1x16xf32>,
          %swap3A_106 = vector.shape_cast %swap3A_105 : vector<1x16xf32> to vector<16xf32>
          %swap3A_107 = vector.shape_cast %mul3A_102 : vector<16xf32> to vector<1x16xf32>
          tpu.vector_store %arg7[%swap3A_103, %swap3A_104], %swap3A_107 {strides = array<i32>} : memref<512x64xf32, #tpu.memory_space<vmem>>, vector<1x16xf32>,
          %get3A_108 = arith.index_cast %scan3A_73 : i32 to index
          %get3A_109 = arith.constant 48 : index
          %get3A_110 = tpu.vector_load %arg7[%get3A_108, %get3A_109] {strides = array<i32>} : memref<512x64xf32, #tpu.memory_space<vmem>>, vector<1x16xf32>,
          %get3A_111 = vector.shape_cast %get3A_110 : vector<1x16xf32> to vector<16xf32>
          %mul3A_112 = arith.constant 8.000000e+00 : f32
          %mul3A_113 = vector.broadcast %mul3A_112 : f32 to vector<16xf32>
          %mul3A_114 = arith.mulf %get3A_111, %mul3A_113 : vector<16xf32>
          %swap3A_115 = arith.index_cast %scan3A_73 : i32 to index
          %swap3A_116 = arith.constant 48 : index
          %swap3A_117 = tpu.vector_load %arg7[%swap3A_115, %swap3A_116] {strides = array<i32>} : memref<512x64xf32, #tpu.memory_space<vmem>>, vector<1x16xf32>,
          %swap3A_118 = vector.shape_cast %swap3A_117 : vector<1x16xf32> to vector<16xf32>
          %swap3A_119 = vector.shape_cast %mul3A_114 : vector<16xf32> to vector<1x16xf32>
          tpu.vector_store %arg7[%swap3A_115, %swap3A_116], %swap3A_119 {strides = array<i32>} : memref<512x64xf32, #tpu.memory_space<vmem>>, vector<1x16xf32>,
          %scan3A_120 = arith.constant 1 : i32
          %scan3A_121 = arith.addi %scan3A_73, %scan3A_120 : i32
          %get3A_122 = arith.index_cast %scan3A_121 : i32 to index
          %get3A_123 = arith.constant 0 : index
          %get3A_124 = tpu.vector_load %arg7[%get3A_122, %get3A_123] {strides = array<i32>} : memref<512x64xf32, #tpu.memory_space<vmem>>, vector<1x16xf32>,
          %get3A_125 = vector.shape_cast %get3A_124 : vector<1x16xf32> to vector<16xf32>
          %mul3A_126 = arith.constant 8.000000e+00 : f32
          %mul3A_127 = vector.broadcast %mul3A_126 : f32 to vector<16xf32>
          %mul3A_128 = arith.mulf %get3A_125, %mul3A_127 : vector<16xf32>
          %swap3A_129 = arith.index_cast %scan3A_121 : i32 to index
          %swap3A_130 = arith.constant 0 : index
          %swap3A_131 = tpu.vector_load %arg7[%swap3A_129, %swap3A_130] {strides = array<i32>} : memref<512x64xf32, #tpu.memory_space<vmem>>, vector<1x16xf32>,
          %swap3A_132 = vector.shape_cast %swap3A_131 : vector<1x16xf32> to vector<16xf32>
          %swap3A_133 = vector.shape_cast %mul3A_128 : vector<16xf32> to vector<1x16xf32>
          tpu.vector_store %arg7[%swap3A_129, %swap3A_130], %swap3A_133 {strides = array<i32>} : memref<512x64xf32, #tpu.memory_space<vmem>>, vector<1x16xf32>,
          %get3A_134 = arith.index_cast %scan3A_121 : i32 to index
          %get3A_135 = arith.constant 16 : index
          %get3A_136 = tpu.vector_load %arg7[%get3A_134, %get3A_135] {strides = array<i32>} : memref<512x64xf32, #tpu.memory_space<vmem>>, vector<1x16xf32>,
          %get3A_137 = vector.shape_cast %get3A_136 : vector<1x16xf32> to vector<16xf32>
          %mul3A_138 = arith.constant 8.000000e+00 : f32
          %mul3A_139 = vector.broadcast %mul3A_138 : f32 to vector<16xf32>
          %mul3A_140 = arith.mulf %get3A_137, %mul3A_139 : vector<16xf32>
          %swap3A_141 = arith.index_cast %scan3A_121 : i32 to index
          %swap3A_142 = arith.constant 16 : index
          %swap3A_143 = tpu.vector_load %arg7[%swap3A_141, %swap3A_142] {strides = array<i32>} : memref<512x64xf32, #tpu.memory_space<vmem>>, vector<1x16xf32>,
          %swap3A_144 = vector.shape_cast %swap3A_143 : vector<1x16xf32> to vector<16xf32>
          %swap3A_145 = vector.shape_cast %mul3A_140 : vector<16xf32> to vector<1x16xf32>
          tpu.vector_store %arg7[%swap3A_141, %swap3A_142], %swap3A_145 {strides = array<i32>} : memref<512x64xf32, #tpu.memory_space<vmem>>, vector<1x16xf32>,
          %get3A_146 = arith.index_cast %scan3A_121 : i32 to index
          %get3A_147 = arith.constant 32 : index
          %get3A_148 = tpu.vector_load %arg7[%get3A_146, %get3A_147] {strides = array<i32>} : memref<512x64xf32, #tpu.memory_space<vmem>>, vector<1x16xf32>,
          %get3A_149 = vector.shape_cast %get3A_148 : vector<1x16xf32> to vector<16xf32>
          %mul3A_150 = arith.constant 8.000000e+00 : f32
          %mul3A_151 = vector.broadcast %mul3A_150 : f32 to vector<16xf32>
          %mul3A_152 = arith.mulf %get3A_149, %mul3A_151 : vector<16xf32>
          %swap3A_153 = arith.index_cast %scan3A_121 : i32 to index
          %swap3A_154 = arith.constant 32 : index
          %swap3A_155 = tpu.vector_load %arg7[%swap3A_153, %swap3A_154] {strides = array<i32>} : memref<512x64xf32, #tpu.memory_space<vmem>>, vector<1x16xf32>,
          %swap3A_156 = vector.shape_cast %swap3A_155 : vector<1x16xf32> to vector<16xf32>
          %swap3A_157 = vector.shape_cast %mul3A_152 : vector<16xf32> to vector<1x16xf32>
          tpu.vector_store %arg7[%swap3A_153, %swap3A_154], %swap3A_157 {strides = array<i32>} : memref<512x64xf32, #tpu.memory_space<vmem>>, vector<1x16xf32>,
          %get3A_158 = arith.index_cast %scan3A_121 : i32 to index
          %get3A_159 = arith.constant 48 : index
          %get3A_160 = tpu.vector_load %arg7[%get3A_158, %get3A_159] {strides = array<i32>} : memref<512x64xf32, #tpu.memory_space<vmem>>, vector<1x16xf32>,
          %get3A_161 = vector.shape_cast %get3A_160 : vector<1x16xf32> to vector<16xf32>
          %mul3A_162 = arith.constant 8.000000e+00 : f32
          %mul3A_163 = vector.broadcast %mul3A_162 : f32 to vector<16xf32>
          %mul3A_164 = arith.mulf %get3A_161, %mul3A_163 : vector<16xf32>
          %swap3A_165 = arith.index_cast %scan3A_121 : i32 to index
          %swap3A_166 = arith.constant 48 : index
          %swap3A_167 = tpu.vector_load %arg7[%swap3A_165, %swap3A_166] {strides = array<i32>} : memref<512x64xf32, #tpu.memory_space<vmem>>, vector<1x16xf32>,
          %swap3A_168 = vector.shape_cast %swap3A_167 : vector<1x16xf32> to vector<16xf32>
          %swap3A_169 = vector.shape_cast %mul3A_164 : vector<16xf32> to vector<1x16xf32>
          tpu.vector_store %arg7[%swap3A_165, %swap3A_166], %swap3A_169 {strides = array<i32>} : memref<512x64xf32, #tpu.memory_space<vmem>>, vector<1x16xf32>,
          %scan3A_170 = arith.constant 2 : i32
          %scan3A_171 = arith.addi %scan3A_73, %scan3A_170 : i32
          %get3A_172 = arith.index_cast %scan3A_171 : i32 to index
          %get3A_173 = arith.constant 0 : index
          %get3A_174 = tpu.vector_load %arg7[%get3A_172, %get3A_173] {strides = array<i32>} : memref<512x64xf32, #tpu.memory_space<vmem>>, vector<1x16xf32>,
          %get3A_175 = vector.shape_cast %get3A_174 : vector<1x16xf32> to vector<16xf32>
          %mul3A_176 = arith.constant 8.000000e+00 : f32
          %mul3A_177 = vector.broadcast %mul3A_176 : f32 to vector<16xf32>
          %mul3A_178 = arith.mulf %get3A_175, %mul3A_177 : vector<16xf32>
          %swap3A_179 = arith.index_cast %scan3A_171 : i32 to index
          %swap3A_180 = arith.constant 0 : index
          %swap3A_181 = tpu.vector_load %arg7[%swap3A_179, %swap3A_180] {strides = array<i32>} : memref<512x64xf32, #tpu.memory_space<vmem>>, vector<1x16xf32>,
          %swap3A_182 = vector.shape_cast %swap3A_181 : vector<1x16xf32> to vector<16xf32>
          %swap3A_183 = vector.shape_cast %mul3A_178 : vector<16xf32> to vector<1x16xf32>
          tpu.vector_store %arg7[%swap3A_179, %swap3A_180], %swap3A_183 {strides = array<i32>} : memref<512x64xf32, #tpu.memory_space<vmem>>, vector<1x16xf32>,
          %get3A_184 = arith.index_cast %scan3A_171 : i32 to index
          %get3A_185 = arith.constant 16 : index
          %get3A_186 = tpu.vector_load %arg7[%get3A_184, %get3A_185] {strides = array<i32>} : memref<512x64xf32, #tpu.memory_space<vmem>>, vector<1x16xf32>,
          %get3A_187 = vector.shape_cast %get3A_186 : vector<1x16xf32> to vector<16xf32>
          %mul3A_188 = arith.constant 8.000000e+00 : f32
          %mul3A_189 = vector.broadcast %mul3A_188 : f32 to vector<16xf32>
          %mul3A_190 = arith.mulf %get3A_187, %mul3A_189 : vector<16xf32>
          %swap3A_191 = arith.index_cast %scan3A_171 : i32 to index
          %swap3A_192 = arith.constant 16 : index
          %swap3A_193 = tpu.vector_load %arg7[%swap3A_191, %swap3A_192] {strides = array<i32>} : memref<512x64xf32, #tpu.memory_space<vmem>>, vector<1x16xf32>,
          %swap3A_194 = vector.shape_cast %swap3A_193 : vector<1x16xf32> to vector<16xf32>
          %swap3A_195 = vector.shape_cast %mul3A_190 : vector<16xf32> to vector<1x16xf32>
          tpu.vector_store %arg7[%swap3A_191, %swap3A_192], %swap3A_195 {strides = array<i32>} : memref<512x64xf32, #tpu.memory_space<vmem>>, vector<1x16xf32>,
          %get3A_196 = arith.index_cast %scan3A_171 : i32 to index
          %get3A_197 = arith.constant 32 : index
          %get3A_198 = tpu.vector_load %arg7[%get3A_196, %get3A_197] {strides = array<i32>} : memref<512x64xf32, #tpu.memory_space<vmem>>, vector<1x16xf32>,
          %get3A_199 = vector.shape_cast %get3A_198 : vector<1x16xf32> to vector<16xf32>
          %mul3A_200 = arith.constant 8.000000e+00 : f32
          %mul3A_201 = vector.broadcast %mul3A_200 : f32 to vector<16xf32>
          %mul3A_202 = arith.mulf %get3A_199, %mul3A_201 : vector<16xf32>
          %swap3A_203 = arith.index_cast %scan3A_171 : i32 to index
          %swap3A_204 = arith.constant 32 : index
          %swap3A_205 = tpu.vector_load %arg7[%swap3A_203, %swap3A_204] {strides = array<i32>} : memref<512x64xf32, #tpu.memory_space<vmem>>, vector<1x16xf32>,
          %swap3A_206 = vector.shape_cast %swap3A_205 : vector<1x16xf32> to vector<16xf32>
          %swap3A_207 = vector.shape_cast %mul3A_202 : vector<16xf32> to vector<1x16xf32>
          tpu.vector_store %arg7[%swap3A_203, %swap3A_204], %swap3A_207 {strides = array<i32>} : memref<512x64xf32, #tpu.memory_space<vmem>>, vector<1x16xf32>,
          %get3A_208 = arith.index_cast %scan3A_171 : i32 to index
          %get3A_209 = arith.constant 48 : index
          %get3A_210 = tpu.vector_load %arg7[%get3A_208, %get3A_209] {strides = array<i32>} : memref<512x64xf32, #tpu.memory_space<vmem>>, vector<1x16xf32>,
          %get3A_211 = vector.shape_cast %get3A_210 : vector<1x16xf32> to vector<16xf32>
          %mul3A_212 = arith.constant 8.000000e+00 : f32
          %mul3A_213 = vector.broadcast %mul3A_212 : f32 to vector<16xf32>
          %mul3A_214 = arith.mulf %get3A_211, %mul3A_213 : vector<16xf32>
          %swap3A_215 = arith.index_cast %scan3A_171 : i32 to index
          %swap3A_216 = arith.constant 48 : index
          %swap3A_217 = tpu.vector_load %arg7[%swap3A_215, %swap3A_216] {strides = array<i32>} : memref<512x64xf32, #tpu.memory_space<vmem>>, vector<1x16xf32>,
          %swap3A_218 = vector.shape_cast %swap3A_217 : vector<1x16xf32> to vector<16xf32>
          %swap3A_219 = vector.shape_cast %mul3A_214 : vector<16xf32> to vector<1x16xf32>
          tpu.vector_store %arg7[%swap3A_215, %swap3A_216], %swap3A_219 {strides = array<i32>} : memref<512x64xf32, #tpu.memory_space<vmem>>, vector<1x16xf32>,
          %scan3A_220 = arith.constant 3 : i32
          %scan3A_221 = arith.addi %scan3A_73, %scan3A_220 : i32
          %get3A_222 = arith.index_cast %scan3A_221 : i32 to index
          %get3A_223 = arith.constant 0 : index
          %get3A_224 = tpu.vector_load %arg7[%get3A_222, %get3A_223] {strides = array<i32>} : memref<512x64xf32, #tpu.memory_space<vmem>>, vector<1x16xf32>,
          %get3A_225 = vector.shape_cast %get3A_224 : vector<1x16xf32> to vector<16xf32>
          %mul3A_226 = arith.constant 8.000000e+00 : f32
          %mul3A_227 = vector.broadcast %mul3A_226 : f32 to vector<16xf32>
          %mul3A_228 = arith.mulf %get3A_225, %mul3A_227 : vector<16xf32>
          %swap3A_229 = arith.index_cast %scan3A_221 : i32 to index
          %swap3A_230 = arith.constant 0 : index
          %swap3A_231 = tpu.vector_load %arg7[%swap3A_229, %swap3A_230] {strides = array<i32>} : memref<512x64xf32, #tpu.memory_space<vmem>>, vector<1x16xf32>,
          %swap3A_232 = vector.shape_cast %swap3A_231 : vector<1x16xf32> to vector<16xf32>
          %swap3A_233 = vector.shape_cast %mul3A_228 : vector<16xf32> to vector<1x16xf32>
          tpu.vector_store %arg7[%swap3A_229, %swap3A_230], %swap3A_233 {strides = array<i32>} : memref<512x64xf32, #tpu.memory_space<vmem>>, vector<1x16xf32>,
          %get3A_234 = arith.index_cast %scan3A_221 : i32 to index
          %get3A_235 = arith.constant 16 : index
          %get3A_236 = tpu.vector_load %arg7[%get3A_234, %get3A_235] {strides = array<i32>} : memref<512x64xf32, #tpu.memory_space<vmem>>, vector<1x16xf32>,
          %get3A_237 = vector.shape_cast %get3A_236 : vector<1x16xf32> to vector<16xf32>
          %mul3A_238 = arith.constant 8.000000e+00 : f32
          %mul3A_239 = vector.broadcast %mul3A_238 : f32 to vector<16xf32>
          %mul3A_240 = arith.mulf %get3A_237, %mul3A_239 : vector<16xf32>
          %swap3A_241 = arith.index_cast %scan3A_221 : i32 to index
          %swap3A_242 = arith.constant 16 : index
          %swap3A_243 = tpu.vector_load %arg7[%swap3A_241, %swap3A_242] {strides = array<i32>} : memref<512x64xf32, #tpu.memory_space<vmem>>, vector<1x16xf32>,
          %swap3A_244 = vector.shape_cast %swap3A_243 : vector<1x16xf32> to vector<16xf32>
          %swap3A_245 = vector.shape_cast %mul3A_240 : vector<16xf32> to vector<1x16xf32>
          tpu.vector_store %arg7[%swap3A_241, %swap3A_242], %swap3A_245 {strides = array<i32>} : memref<512x64xf32, #tpu.memory_space<vmem>>, vector<1x16xf32>,
          %get3A_246 = arith.index_cast %scan3A_221 : i32 to index
          %get3A_247 = arith.constant 32 : index
          %get3A_248 = tpu.vector_load %arg7[%get3A_246, %get3A_247] {strides = array<i32>} : memref<512x64xf32, #tpu.memory_space<vmem>>, vector<1x16xf32>,
          %get3A_249 = vector.shape_cast %get3A_248 : vector<1x16xf32> to vector<16xf32>
          %mul3A_250 = arith.constant 8.000000e+00 : f32
          %mul3A_251 = vector.broadcast %mul3A_250 : f32 to vector<16xf32>
          %mul3A_252 = arith.mulf %get3A_249, %mul3A_251 : vector<16xf32>
          %swap3A_253 = arith.index_cast %scan3A_221 : i32 to index
          %swap3A_254 = arith.constant 32 : index
          %swap3A_255 = tpu.vector_load %arg7[%swap3A_253, %swap3A_254] {strides = array<i32>} : memref<512x64xf32, #tpu.memory_space<vmem>>, vector<1x16xf32>,
          %swap3A_256 = vector.shape_cast %swap3A_255 : vector<1x16xf32> to vector<16xf32>
          %swap3A_257 = vector.shape_cast %mul3A_252 : vector<16xf32> to vector<1x16xf32>
          tpu.vector_store %arg7[%swap3A_253, %swap3A_254], %swap3A_257 {strides = array<i32>} : memref<512x64xf32, #tpu.memory_space<vmem>>, vector<1x16xf32>,
          %get3A_258 = arith.index_cast %scan3A_221 : i32 to index
          %get3A_259 = arith.constant 48 : index
          %get3A_260 = tpu.vector_load %arg7[%get3A_258, %get3A_259] {strides = array<i32>} : memref<512x64xf32, #tpu.memory_space<vmem>>, vector<1x16xf32>,
          %get3A_261 = vector.shape_cast %get3A_260 : vector<1x16xf32> to vector<16xf32>
          %mul3A_262 = arith.constant 8.000000e+00 : f32
          %mul3A_263 = vector.broadcast %mul3A_262 : f32 to vector<16xf32>
          %mul3A_264 = arith.mulf %get3A_261, %mul3A_263 : vector<16xf32>
          %swap3A_265 = arith.index_cast %scan3A_221 : i32 to index
          %swap3A_266 = arith.constant 48 : index
          %swap3A_267 = tpu.vector_load %arg7[%swap3A_265, %swap3A_266] {strides = array<i32>} : memref<512x64xf32, #tpu.memory_space<vmem>>, vector<1x16xf32>,
          %swap3A_268 = vector.shape_cast %swap3A_267 : vector<1x16xf32> to vector<16xf32>
          %swap3A_269 = vector.shape_cast %mul3A_264 : vector<16xf32> to vector<1x16xf32>
          tpu.vector_store %arg7[%swap3A_265, %swap3A_266], %swap3A_269 {strides = array<i32>} : memref<512x64xf32, #tpu.memory_space<vmem>>, vector<1x16xf32>,
          %scan3A_270 = arith.constant 4 : i32
          %scan3A_271 = arith.addi %scan3A_73, %scan3A_270 : i32
          %get3A_272 = arith.index_cast %scan3A_271 : i32 to index
          %get3A_273 = arith.constant 0 : index
          %get3A_274 = tpu.vector_load %arg7[%get3A_272, %get3A_273] {strides = array<i32>} : memref<512x64xf32, #tpu.memory_space<vmem>>, vector<1x16xf32>,
          %get3A_275 = vector.shape_cast %get3A_274 : vector<1x16xf32> to vector<16xf32>
          %mul3A_276 = arith.constant 8.000000e+00 : f32
          %mul3A_277 = vector.broadcast %mul3A_276 : f32 to vector<16xf32>
          %mul3A_278 = arith.mulf %get3A_275, %mul3A_277 : vector<16xf32>
          %swap3A_279 = arith.index_cast %scan3A_271 : i32 to index
          %swap3A_280 = arith.constant 0 : index
          %swap3A_281 = tpu.vector_load %arg7[%swap3A_279, %swap3A_280] {strides = array<i32>} : memref<512x64xf32, #tpu.memory_space<vmem>>, vector<1x16xf32>,
          %swap3A_282 = vector.shape_cast %swap3A_281 : vector<1x16xf32> to vector<16xf32>
          %swap3A_283 = vector.shape_cast %mul3A_278 : vector<16xf32> to vector<1x16xf32>
          tpu.vector_store %arg7[%swap3A_279, %swap3A_280], %swap3A_283 {strides = array<i32>} : memref<512x64xf32, #tpu.memory_space<vmem>>, vector<1x16xf32>,
          %get3A_284 = arith.index_cast %scan3A_271 : i32 to index
          %get3A_285 = arith.constant 16 : index
          %get3A_286 = tpu.vector_load %arg7[%get3A_284, %get3A_285] {strides = array<i32>} : memref<512x64xf32, #tpu.memory_space<vmem>>, vector<1x16xf32>,
          %get3A_287 = vector.shape_cast %get3A_286 : vector<1x16xf32> to vector<16xf32>
          %mul3A_288 = arith.constant 8.000000e+00 : f32
          %mul3A_289 = vector.broadcast %mul3A_288 : f32 to vector<16xf32>
          %mul3A_290 = arith.mulf %get3A_287, %mul3A_289 : vector<16xf32>
          %swap3A_291 = arith.index_cast %scan3A_271 : i32 to index
          %swap3A_292 = arith.constant 16 : index
          %swap3A_293 = tpu.vector_load %arg7[%swap3A_291, %swap3A_292] {strides = array<i32>} : memref<512x64xf32, #tpu.memory_space<vmem>>, vector<1x16xf32>,
          %swap3A_294 = vector.shape_cast %swap3A_293 : vector<1x16xf32> to vector<16xf32>
          %swap3A_295 = vector.shape_cast %mul3A_290 : vector<16xf32> to vector<1x16xf32>
          tpu.vector_store %arg7[%swap3A_291, %swap3A_292], %swap3A_295 {strides = array<i32>} : memref<512x64xf32, #tpu.memory_space<vmem>>, vector<1x16xf32>,
          %get3A_296 = arith.index_cast %scan3A_271 : i32 to index
          %get3A_297 = arith.constant 32 : index
          %get3A_298 = tpu.vector_load %arg7[%get3A_296, %get3A_297] {strides = array<i32>} : memref<512x64xf32, #tpu.memory_space<vmem>>, vector<1x16xf32>,
          %get3A_299 = vector.shape_cast %get3A_298 : vector<1x16xf32> to vector<16xf32>
          %mul3A_300 = arith.constant 8.000000e+00 : f32
          %mul3A_301 = vector.broadcast %mul3A_300 : f32 to vector<16xf32>
          %mul3A_302 = arith.mulf %get3A_299, %mul3A_301 : vector<16xf32>
          %swap3A_303 = arith.index_cast %scan3A_271 : i32 to index
          %swap3A_304 = arith.constant 32 : index
          %swap3A_305 = tpu.vector_load %arg7[%swap3A_303, %swap3A_304] {strides = array<i32>} : memref<512x64xf32, #tpu.memory_space<vmem>>, vector<1x16xf32>,
          %swap3A_306 = vector.shape_cast %swap3A_305 : vector<1x16xf32> to vector<16xf32>
          %swap3A_307 = vector.shape_cast %mul3A_302 : vector<16xf32> to vector<1x16xf32>
          tpu.vector_store %arg7[%swap3A_303, %swap3A_304], %swap3A_307 {strides = array<i32>} : memref<512x64xf32, #tpu.memory_space<vmem>>, vector<1x16xf32>,
          %get3A_308 = arith.index_cast %scan3A_271 : i32 to index
          %get3A_309 = arith.constant 48 : index
          %get3A_310 = tpu.vector_load %arg7[%get3A_308, %get3A_309] {strides = array<i32>} : memref<512x64xf32, #tpu.memory_space<vmem>>, vector<1x16xf32>,
          %get3A_311 = vector.shape_cast %get3A_310 : vector<1x16xf32> to vector<16xf32>
          %mul3A_312 = arith.constant 8.000000e+00 : f32
          %mul3A_313 = vector.broadcast %mul3A_312 : f32 to vector<16xf32>
          %mul3A_314 = arith.mulf %get3A_311, %mul3A_313 : vector<16xf32>
          %swap3A_315 = arith.index_cast %scan3A_271 : i32 to index
          %swap3A_316 = arith.constant 48 : index
          %swap3A_317 = tpu.vector_load %arg7[%swap3A_315, %swap3A_316] {strides = array<i32>} : memref<512x64xf32, #tpu.memory_space<vmem>>, vector<1x16xf32>,
          %swap3A_318 = vector.shape_cast %swap3A_317 : vector<1x16xf32> to vector<16xf32>
          %swap3A_319 = vector.shape_cast %mul3A_314 : vector<16xf32> to vector<1x16xf32>
          tpu.vector_store %arg7[%swap3A_315, %swap3A_316], %swap3A_319 {strides = array<i32>} : memref<512x64xf32, #tpu.memory_space<vmem>>, vector<1x16xf32>,
          %scan3A_320 = arith.constant 5 : i32
          %scan3A_321 = arith.addi %scan3A_73, %scan3A_320 : i32
          %get3A_322 = arith.index_cast %scan3A_321 : i32 to index
          %get3A_323 = arith.constant 0 : index
          %get3A_324 = tpu.vector_load %arg7[%get3A_322, %get3A_323] {strides = array<i32>} : memref<512x64xf32, #tpu.memory_space<vmem>>, vector<1x16xf32>,
          %get3A_325 = vector.shape_cast %get3A_324 : vector<1x16xf32> to vector<16xf32>
          %mul3A_326 = arith.constant 8.000000e+00 : f32
          %mul3A_327 = vector.broadcast %mul3A_326 : f32 to vector<16xf32>
          %mul3A_328 = arith.mulf %get3A_325, %mul3A_327 : vector<16xf32>
          %swap3A_329 = arith.index_cast %scan3A_321 : i32 to index
          %swap3A_330 = arith.constant 0 : index
          %swap3A_331 = tpu.vector_load %arg7[%swap3A_329, %swap3A_330] {strides = array<i32>} : memref<512x64xf32, #tpu.memory_space<vmem>>, vector<1x16xf32>,
          %swap3A_332 = vector.shape_cast %swap3A_331 : vector<1x16xf32> to vector<16xf32>
          %swap3A_333 = vector.shape_cast %mul3A_328 : vector<16xf32> to vector<1x16xf32>
          tpu.vector_store %arg7[%swap3A_329, %swap3A_330], %swap3A_333 {strides = array<i32>} : memref<512x64xf32, #tpu.memory_space<vmem>>, vector<1x16xf32>,
          %get3A_334 = arith.index_cast %scan3A_321 : i32 to index
          %get3A_335 = arith.constant 16 : index
          %get3A_336 = tpu.vector_load %arg7[%get3A_334, %get3A_335] {strides = array<i32>} : memref<512x64xf32, #tpu.memory_space<vmem>>, vector<1x16xf32>,
          %get3A_337 = vector.shape_cast %get3A_336 : vector<1x16xf32> to vector<16xf32>
          %mul3A_338 = arith.constant 8.000000e+00 : f32
          %mul3A_339 = vector.broadcast %mul3A_338 : f32 to vector<16xf32>
          %mul3A_340 = arith.mulf %get3A_337, %mul3A_339 : vector<16xf32>
          %swap3A_341 = arith.index_cast %scan3A_321 : i32 to index
          %swap3A_342 = arith.constant 16 : index
          %swap3A_343 = tpu.vector_load %arg7[%swap3A_341, %swap3A_342] {strides = array<i32>} : memref<512x64xf32, #tpu.memory_space<vmem>>, vector<1x16xf32>,
          %swap3A_344 = vector.shape_cast %swap3A_343 : vector<1x16xf32> to vector<16xf32>
          %swap3A_345 = vector.shape_cast %mul3A_340 : vector<16xf32> to vector<1x16xf32>
          tpu.vector_store %arg7[%swap3A_341, %swap3A_342], %swap3A_345 {strides = array<i32>} : memref<512x64xf32, #tpu.memory_space<vmem>>, vector<1x16xf32>,
          %get3A_346 = arith.index_cast %scan3A_321 : i32 to index
          %get3A_347 = arith.constant 32 : index
          %get3A_348 = tpu.vector_load %arg7[%get3A_346, %get3A_347] {strides = array<i32>} : memref<512x64xf32, #tpu.memory_space<vmem>>, vector<1x16xf32>,
          %get3A_349 = vector.shape_cast %get3A_348 : vector<1x16xf32> to vector<16xf32>
          %mul3A_350 = arith.constant 8.000000e+00 : f32
          %mul3A_351 = vector.broadcast %mul3A_350 : f32 to vector<16xf32>
          %mul3A_352 = arith.mulf %get3A_349, %mul3A_351 : vector<16xf32>
          %swap3A_353 = arith.index_cast %scan3A_321 : i32 to index
          %swap3A_354 = arith.constant 32 : index
          %swap3A_355 = tpu.vector_load %arg7[%swap3A_353, %swap3A_354] {strides = array<i32>} : memref<512x64xf32, #tpu.memory_space<vmem>>, vector<1x16xf32>,
          %swap3A_356 = vector.shape_cast %swap3A_355 : vector<1x16xf32> to vector<16xf32>
          %swap3A_357 = vector.shape_cast %mul3A_352 : vector<16xf32> to vector<1x16xf32>
          tpu.vector_store %arg7[%swap3A_353, %swap3A_354], %swap3A_357 {strides = array<i32>} : memref<512x64xf32, #tpu.memory_space<vmem>>, vector<1x16xf32>,
          %get3A_358 = arith.index_cast %scan3A_321 : i32 to index
          %get3A_359 = arith.constant 48 : index
          %get3A_360 = tpu.vector_load %arg7[%get3A_358, %get3A_359] {strides = array<i32>} : memref<512x64xf32, #tpu.memory_space<vmem>>, vector<1x16xf32>,
          %get3A_361 = vector.shape_cast %get3A_360 : vector<1x16xf32> to vector<16xf32>
          %mul3A_362 = arith.constant 8.000000e+00 : f32
          %mul3A_363 = vector.broadcast %mul3A_362 : f32 to vector<16xf32>
          %mul3A_364 = arith.mulf %get3A_361, %mul3A_363 : vector<16xf32>
          %swap3A_365 = arith.index_cast %scan3A_321 : i32 to index
          %swap3A_366 = arith.constant 48 : index
          %swap3A_367 = tpu.vector_load %arg7[%swap3A_365, %swap3A_366] {strides = array<i32>} : memref<512x64xf32, #tpu.memory_space<vmem>>, vector<1x16xf32>,
          %swap3A_368 = vector.shape_cast %swap3A_367 : vector<1x16xf32> to vector<16xf32>
          %swap3A_369 = vector.shape_cast %mul3A_364 : vector<16xf32> to vector<1x16xf32>
          tpu.vector_store %arg7[%swap3A_365, %swap3A_366], %swap3A_369 {strides = array<i32>} : memref<512x64xf32, #tpu.memory_space<vmem>>, vector<1x16xf32>,
          %scan3A_370 = arith.constant 6 : i32
          %scan3A_371 = arith.addi %scan3A_73, %scan3A_370 : i32
          %get3A_372 = arith.index_cast %scan3A_371 : i32 to index
          %get3A_373 = arith.constant 0 : index
          %get3A_374 = tpu.vector_load %arg7[%get3A_372, %get3A_373] {strides = array<i32>} : memref<512x64xf32, #tpu.memory_space<vmem>>, vector<1x16xf32>,
          %get3A_375 = vector.shape_cast %get3A_374 : vector<1x16xf32> to vector<16xf32>
          %mul3A_376 = arith.constant 8.000000e+00 : f32
          %mul3A_377 = vector.broadcast %mul3A_376 : f32 to vector<16xf32>
          %mul3A_378 = arith.mulf %get3A_375, %mul3A_377 : vector<16xf32>
          %swap3A_379 = arith.index_cast %scan3A_371 : i32 to index
          %swap3A_380 = arith.constant 0 : index
          %swap3A_381 = tpu.vector_load %arg7[%swap3A_379, %swap3A_380] {strides = array<i32>} : memref<512x64xf32, #tpu.memory_space<vmem>>, vector<1x16xf32>,
          %swap3A_382 = vector.shape_cast %swap3A_381 : vector<1x16xf32> to vector<16xf32>
          %swap3A_383 = vector.shape_cast %mul3A_378 : vector<16xf32> to vector<1x16xf32>
          tpu.vector_store %arg7[%swap3A_379, %swap3A_380], %swap3A_383 {strides = array<i32>} : memref<512x64xf32, #tpu.memory_space<vmem>>, vector<1x16xf32>,
          %get3A_384 = arith.index_cast %scan3A_371 : i32 to index
          %get3A_385 = arith.constant 16 : index
          %get3A_386 = tpu.vector_load %arg7[%get3A_384, %get3A_385] {strides = array<i32>} : memref<512x64xf32, #tpu.memory_space<vmem>>, vector<1x16xf32>,
          %get3A_387 = vector.shape_cast %get3A_386 : vector<1x16xf32> to vector<16xf32>
          %mul3A_388 = arith.constant 8.000000e+00 : f32
          %mul3A_389 = vector.broadcast %mul3A_388 : f32 to vector<16xf32>
          %mul3A_390 = arith.mulf %get3A_387, %mul3A_389 : vector<16xf32>
          %swap3A_391 = arith.index_cast %scan3A_371 : i32 to index
          %swap3A_392 = arith.constant 16 : index
          %swap3A_393 = tpu.vector_load %arg7[%swap3A_391, %swap3A_392] {strides = array<i32>} : memref<512x64xf32, #tpu.memory_space<vmem>>, vector<1x16xf32>,
          %swap3A_394 = vector.shape_cast %swap3A_393 : vector<1x16xf32> to vector<16xf32>
          %swap3A_395 = vector.shape_cast %mul3A_390 : vector<16xf32> to vector<1x16xf32>
          tpu.vector_store %arg7[%swap3A_391, %swap3A_392], %swap3A_395 {strides = array<i32>} : memref<512x64xf32, #tpu.memory_space<vmem>>, vector<1x16xf32>,
          %get3A_396 = arith.index_cast %scan3A_371 : i32 to index
          %get3A_397 = arith.constant 32 : index
          %get3A_398 = tpu.vector_load %arg7[%get3A_396, %get3A_397] {strides = array<i32>} : memref<512x64xf32, #tpu.memory_space<vmem>>, vector<1x16xf32>,
          %get3A_399 = vector.shape_cast %get3A_398 : vector<1x16xf32> to vector<16xf32>
          %mul3A_400 = arith.constant 8.000000e+00 : f32
          %mul3A_401 = vector.broadcast %mul3A_400 : f32 to vector<16xf32>
          %mul3A_402 = arith.mulf %get3A_399, %mul3A_401 : vector<16xf32>
          %swap3A_403 = arith.index_cast %scan3A_371 : i32 to index
          %swap3A_404 = arith.constant 32 : index
          %swap3A_405 = tpu.vector_load %arg7[%swap3A_403, %swap3A_404] {strides = array<i32>} : memref<512x64xf32, #tpu.memory_space<vmem>>, vector<1x16xf32>,
          %swap3A_406 = vector.shape_cast %swap3A_405 : vector<1x16xf32> to vector<16xf32>
          %swap3A_407 = vector.shape_cast %mul3A_402 : vector<16xf32> to vector<1x16xf32>
          tpu.vector_store %arg7[%swap3A_403, %swap3A_404], %swap3A_407 {strides = array<i32>} : memref<512x64xf32, #tpu.memory_space<vmem>>, vector<1x16xf32>,
          %get3A_408 = arith.index_cast %scan3A_371 : i32 to index
          %get3A_409 = arith.constant 48 : index
          %get3A_410 = tpu.vector_load %arg7[%get3A_408, %get3A_409] {strides = array<i32>} : memref<512x64xf32, #tpu.memory_space<vmem>>, vector<1x16xf32>,
          %get3A_411 = vector.shape_cast %get3A_410 : vector<1x16xf32> to vector<16xf32>
          %mul3A_412 = arith.constant 8.000000e+00 : f32
          %mul3A_413 = vector.broadcast %mul3A_412 : f32 to vector<16xf32>
          %mul3A_414 = arith.mulf %get3A_411, %mul3A_413 : vector<16xf32>
          %swap3A_415 = arith.index_cast %scan3A_371 : i32 to index
          %swap3A_416 = arith.constant 48 : index
          %swap3A_417 = tpu.vector_load %arg7[%swap3A_415, %swap3A_416] {strides = array<i32>} : memref<512x64xf32, #tpu.memory_space<vmem>>, vector<1x16xf32>,
          %swap3A_418 = vector.shape_cast %swap3A_417 : vector<1x16xf32> to vector<16xf32>
          %swap3A_419 = vector.shape_cast %mul3A_414 : vector<16xf32> to vector<1x16xf32>
          tpu.vector_store %arg7[%swap3A_415, %swap3A_416], %swap3A_419 {strides = array<i32>} : memref<512x64xf32, #tpu.memory_space<vmem>>, vector<1x16xf32>,
          %scan3A_420 = arith.constant 7 : i32
          %scan3A_421 = arith.addi %scan3A_73, %scan3A_420 : i32
          %get3A_422 = arith.index_cast %scan3A_421 : i32 to index
          %get3A_423 = arith.constant 0 : index
          %get3A_424 = tpu.vector_load %arg7[%get3A_422, %get3A_423] {strides = array<i32>} : memref<512x64xf32, #tpu.memory_space<vmem>>, vector<1x16xf32>,
          %get3A_425 = vector.shape_cast %get3A_424 : vector<1x16xf32> to vector<16xf32>
          %mul3A_426 = arith.constant 8.000000e+00 : f32
          %mul3A_427 = vector.broadcast %mul3A_426 : f32 to vector<16xf32>
          %mul3A_428 = arith.mulf %get3A_425, %mul3A_427 : vector<16xf32>
          %swap3A_429 = arith.index_cast %scan3A_421 : i32 to index
          %swap3A_430 = arith.constant 0 : index
          %swap3A_431 = tpu.vector_load %arg7[%swap3A_429, %swap3A_430] {strides = array<i32>} : memref<512x64xf32, #tpu.memory_space<vmem>>, vector<1x16xf32>,
          %swap3A_432 = vector.shape_cast %swap3A_431 : vector<1x16xf32> to vector<16xf32>
          %swap3A_433 = vector.shape_cast %mul3A_428 : vector<16xf32> to vector<1x16xf32>
          tpu.vector_store %arg7[%swap3A_429, %swap3A_430], %swap3A_433 {strides = array<i32>} : memref<512x64xf32, #tpu.memory_space<vmem>>, vector<1x16xf32>,
          %get3A_434 = arith.index_cast %scan3A_421 : i32 to index
          %get3A_435 = arith.constant 16 : index
          %get3A_436 = tpu.vector_load %arg7[%get3A_434, %get3A_435] {strides = array<i32>} : memref<512x64xf32, #tpu.memory_space<vmem>>, vector<1x16xf32>,
          %get3A_437 = vector.shape_cast %get3A_436 : vector<1x16xf32> to vector<16xf32>
          %mul3A_438 = arith.constant 8.000000e+00 : f32
          %mul3A_439 = vector.broadcast %mul3A_438 : f32 to vector<16xf32>
          %mul3A_440 = arith.mulf %get3A_437, %mul3A_439 : vector<16xf32>
          %swap3A_441 = arith.index_cast %scan3A_421 : i32 to index
          %swap3A_442 = arith.constant 16 : index
          %swap3A_443 = tpu.vector_load %arg7[%swap3A_441, %swap3A_442] {strides = array<i32>} : memref<512x64xf32, #tpu.memory_space<vmem>>, vector<1x16xf32>,
          %swap3A_444 = vector.shape_cast %swap3A_443 : vector<1x16xf32> to vector<16xf32>
          %swap3A_445 = vector.shape_cast %mul3A_440 : vector<16xf32> to vector<1x16xf32>
          tpu.vector_store %arg7[%swap3A_441, %swap3A_442], %swap3A_445 {strides = array<i32>} : memref<512x64xf32, #tpu.memory_space<vmem>>, vector<1x16xf32>,
          %get3A_446 = arith.index_cast %scan3A_421 : i32 to index
          %get3A_447 = arith.constant 32 : index
          %get3A_448 = tpu.vector_load %arg7[%get3A_446, %get3A_447] {strides = array<i32>} : memref<512x64xf32, #tpu.memory_space<vmem>>, vector<1x16xf32>,
          %get3A_449 = vector.shape_cast %get3A_448 : vector<1x16xf32> to vector<16xf32>
          %mul3A_450 = arith.constant 8.000000e+00 : f32
          %mul3A_451 = vector.broadcast %mul3A_450 : f32 to vector<16xf32>
          %mul3A_452 = arith.mulf %get3A_449, %mul3A_451 : vector<16xf32>
          %swap3A_453 = arith.index_cast %scan3A_421 : i32 to index
          %swap3A_454 = arith.constant 32 : index
          %swap3A_455 = tpu.vector_load %arg7[%swap3A_453, %swap3A_454] {strides = array<i32>} : memref<512x64xf32, #tpu.memory_space<vmem>>, vector<1x16xf32>,
          %swap3A_456 = vector.shape_cast %swap3A_455 : vector<1x16xf32> to vector<16xf32>
          %swap3A_457 = vector.shape_cast %mul3A_452 : vector<16xf32> to vector<1x16xf32>
          tpu.vector_store %arg7[%swap3A_453, %swap3A_454], %swap3A_457 {strides = array<i32>} : memref<512x64xf32, #tpu.memory_space<vmem>>, vector<1x16xf32>,
          %get3A_458 = arith.index_cast %scan3A_421 : i32 to index
          %get3A_459 = arith.constant 48 : index
          %get3A_460 = tpu.vector_load %arg7[%get3A_458, %get3A_459] {strides = array<i32>} : memref<512x64xf32, #tpu.memory_space<vmem>>, vector<1x16xf32>,
          %get3A_461 = vector.shape_cast %get3A_460 : vector<1x16xf32> to vector<16xf32>
          %mul3A_462 = arith.constant 8.000000e+00 : f32
          %mul3A_463 = vector.broadcast %mul3A_462 : f32 to vector<16xf32>
          %mul3A_464 = arith.mulf %get3A_461, %mul3A_463 : vector<16xf32>
          %swap3A_465 = arith.index_cast %scan3A_421 : i32 to index
          %swap3A_466 = arith.constant 48 : index
          %swap3A_467 = tpu.vector_load %arg7[%swap3A_465, %swap3A_466] {strides = array<i32>} : memref<512x64xf32, #tpu.memory_space<vmem>>, vector<1x16xf32>,
          %swap3A_468 = vector.shape_cast %swap3A_467 : vector<1x16xf32> to vector<16xf32>
          %swap3A_469 = vector.shape_cast %mul3A_464 : vector<16xf32> to vector<1x16xf32>
          tpu.vector_store %arg7[%swap3A_465, %swap3A_466], %swap3A_469 {strides = array<i32>} : memref<512x64xf32, #tpu.memory_space<vmem>>, vector<1x16xf32>,
        }
        %scan3A_65 = arith.constant 512 : i32
        %mul3A_66 = arith.constant 512 : i32
        %mul3A_67 = arith.muli %add3A_33, %mul3A_66 : i32
        %add3A_68 = arith.addi %mul3A_2, %mul3A_67 : i32
        %dma_start3A_69 = arith.constant 0 : i32
        %dma_start3A_70 = tpu.memref_slice %arg4[%add3A_68, %dma_start3A_69] : memref<819200x128xf32, #tpu.memory_space<hbm>> -> memref<512x64xf32, #tpu.memory_space<hbm>>
        %dma_start3A_71 = arith.constant 0 : i32
        %dma_start3A_72 = tpu.memref_slice %arg4[%add3A_68, %dma_start3A_71] : memref<819200x128xf32, #tpu.memory_space<hbm>> -> memref<512x64xf32, #tpu.memory_space<hbm>>
        tpu.enqueue_dma source(%arg7 : memref<512x64xf32, #tpu.memory_space<vmem>>) target(%dma_start3A_72 : memref<512x64xf32, #tpu.memory_space<hbm>>) target_semaphore(%arg13 : memref<!tpu.dma_semaphore, #tpu.memory_space<semaphore_mem>>)
      } else {
      }
      %mul3A_39 = arith.constant 3 : i32
      %mul3A_40 = arith.muli %scan3A_23, %mul3A_39 : i32
      %add3A_41 = arith.constant 2 : i32
      %add3A_42 = arith.addi %mul3A_40, %add3A_41 : i32
      %lt3A_43 = arith.constant 50 : i32
      %lt3A_44 = arith.cmpi slt, %add3A_42, %lt3A_43 : i32
      %convert_element_type3A_45 = arith.extui %lt3A_44 : i1 to i32
      %cond3A_46 = arith.constant 0 : i32
      %cond3A_47 = arith.cmpi ne, %convert_element_type3A_45, %cond3A_46 : i32
      scf.if %cond3A_47 {
        %add3A_48 = arith.constant 1 : i32
        %add3A_49 = arith.addi %add3A_42, %add3A_48 : i32
        %lt3A_50 = arith.constant 50 : i32
        %lt3A_51 = arith.cmpi slt, %add3A_49, %lt3A_50 : i32
        %convert_element_type3A_52 = arith.extui %lt3A_51 : i1 to i32
        %cond3A_53 = arith.constant 0 : i32
        %cond3A_54 = arith.cmpi ne, %convert_element_type3A_52, %cond3A_53 : i32
        scf.if %cond3A_54 {
          %add3A_73 = arith.constant 1 : i32
          %add3A_74 = arith.addi %add3A_42, %add3A_73 : i32
          %ge3A = arith.constant 3 : i32
          %ge3A_75 = arith.cmpi sge, %add3A_74, %ge3A : i32
          %convert_element_type3A_76 = arith.extui %ge3A_75 : i1 to i32
          %cond3A_77 = arith.constant 0 : i32
          %cond3A_78 = arith.cmpi ne, %convert_element_type3A_76, %cond3A_77 : i32
          scf.if %cond3A_78 {
            %dma_wait3A_87 = arith.constant 0 : i32
            %dma_wait3A_88 = tpu.memref_slice %arg4[%mul3A_2, %dma_wait3A_87] : memref<819200x128xf32, #tpu.memory_space<hbm>> -> memref<512x64xf32, #tpu.memory_space<hbm>>
            %dma_wait3A_89 = arith.constant 0 : i32
            %dma_wait3A_90 = tpu.memref_slice %arg4[%mul3A_2, %dma_wait3A_89] : memref<819200x128xf32, #tpu.memory_space<hbm>> -> memref<512x64xf32, #tpu.memory_space<hbm>>
            tpu.wait_dma2 semaphore(%arg12 : memref<!tpu.dma_semaphore, #tpu.memory_space<semaphore_mem>>) src(%arg6 : memref<512x64xf32, #tpu.memory_space<vmem>>) dst(%dma_wait3A_90 : memref<512x64xf32, #tpu.memory_space<hbm>>)
          } else {
          }
          %add3A_79 = arith.constant 1 : i32
          %add3A_80 = arith.addi %add3A_42, %add3A_79 : i32
          %mul3A_81 = arith.constant 512 : i32
          %mul3A_82 = arith.muli %add3A_80, %mul3A_81 : i32
          %dma_start3A_83 = tpu.memref_slice %arg5[%mul3A_82] : memref<25600xi32, #tpu.memory_space<vmem>> -> memref<512xi32, #tpu.memory_space<vmem>>
          %dma_start3A_84 = arith.constant 0 : i32
          %dma_start3A_85 = arith.constant 0 : i32
          %dma_start3A_86 = tpu.memref_slice %arg3[%dma_start3A_84, %dma_start3A_85] : memref<1000000x64xf32, #tpu.memory_space<hbm>> -> memref<1000000x64xf32, #tpu.memory_space<hbm>>
          tpu.enqueue_indirect_dma source(%dma_start3A_86 : memref<1000000x64xf32, #tpu.memory_space<hbm>>) target(%arg6 : memref<512x64xf32, #tpu.memory_space<vmem>>) offsets(%dma_start3A_83 : memref<512xi32, #tpu.memory_space<vmem>>) semaphore(%arg9 : memref<!tpu.dma_semaphore, #tpu.memory_space<semaphore_mem>>)
        } else {
        }
        %dma_wait3A_55 = arith.constant 0 : i32
        %dma_wait3A_56 = tpu.memref_slice %arg5[%dma_wait3A_55] : memref<25600xi32, #tpu.memory_space<vmem>> -> memref<512xi32, #tpu.memory_space<vmem>>
        %dma_wait3A_57 = arith.constant 0 : i32
        %dma_wait3A_58 = arith.constant 0 : i32
        %dma_wait3A_59 = tpu.memref_slice %arg3[%dma_wait3A_57, %dma_wait3A_58] : memref<1000000x64xf32, #tpu.memory_space<hbm>> -> memref<1000000x64xf32, #tpu.memory_space<hbm>>
        tpu.wait_indirect_dma semaphore(%arg11 : memref<!tpu.dma_semaphore, #tpu.memory_space<semaphore_mem>>) src(%dma_wait3A_59 : memref<1000000x64xf32, #tpu.memory_space<hbm>>) dst(%arg8 : memref<512x64xf32, #tpu.memory_space<vmem>>)
        %scan3A_60 = arith.constant 0 : i32
        %scan3A_61 = arith.constant 0 : i32
        %scan3A_62 = arith.constant 512 : i32
        %scan3A_63 = arith.addi %scan3A_61, %scan3A_62 : i32
        %scan3A_64 = arith.constant 8 : i32
        scf.for %scan3A_73 = %scan3A_61 to %scan3A_63 step %scan3A_64  : i32 {
          %get3A = arith.index_cast %scan3A_73 : i32 to index
          %get3A_74 = arith.constant 0 : index
          %get3A_75 = tpu.vector_load %arg8[%get3A, %get3A_74] {strides = array<i32>} : memref<512x64xf32, #tpu.memory_space<vmem>>, vector<1x16xf32>,
          %get3A_76 = vector.shape_cast %get3A_75 : vector<1x16xf32> to vector<16xf32>
          %mul3A_77 = arith.constant 8.000000e+00 : f32
          %mul3A_78 = vector.broadcast %mul3A_77 : f32 to vector<16xf32>
          %mul3A_79 = arith.mulf %get3A_76, %mul3A_78 : vector<16xf32>
          %swap3A = arith.index_cast %scan3A_73 : i32 to index
          %swap3A_80 = arith.constant 0 : index
          %swap3A_81 = tpu.vector_load %arg8[%swap3A, %swap3A_80] {strides = array<i32>} : memref<512x64xf32, #tpu.memory_space<vmem>>, vector<1x16xf32>,
          %swap3A_82 = vector.shape_cast %swap3A_81 : vector<1x16xf32> to vector<16xf32>
          %swap3A_83 = vector.shape_cast %mul3A_79 : vector<16xf32> to vector<1x16xf32>
          tpu.vector_store %arg8[%swap3A, %swap3A_80], %swap3A_83 {strides = array<i32>} : memref<512x64xf32, #tpu.memory_space<vmem>>, vector<1x16xf32>,
          %get3A_84 = arith.index_cast %scan3A_73 : i32 to index
          %get3A_85 = arith.constant 16 : index
          %get3A_86 = tpu.vector_load %arg8[%get3A_84, %get3A_85] {strides = array<i32>} : memref<512x64xf32, #tpu.memory_space<vmem>>, vector<1x16xf32>,
          %get3A_87 = vector.shape_cast %get3A_86 : vector<1x16xf32> to vector<16xf32>
          %mul3A_88 = arith.constant 8.000000e+00 : f32
          %mul3A_89 = vector.broadcast %mul3A_88 : f32 to vector<16xf32>
          %mul3A_90 = arith.mulf %get3A_87, %mul3A_89 : vector<16xf32>
          %swap3A_91 = arith.index_cast %scan3A_73 : i32 to index
          %swap3A_92 = arith.constant 16 : index
          %swap3A_93 = tpu.vector_load %arg8[%swap3A_91, %swap3A_92] {strides = array<i32>} : memref<512x64xf32, #tpu.memory_space<vmem>>, vector<1x16xf32>,
          %swap3A_94 = vector.shape_cast %swap3A_93 : vector<1x16xf32> to vector<16xf32>
          %swap3A_95 = vector.shape_cast %mul3A_90 : vector<16xf32> to vector<1x16xf32>
          tpu.vector_store %arg8[%swap3A_91, %swap3A_92], %swap3A_95 {strides = array<i32>} : memref<512x64xf32, #tpu.memory_space<vmem>>, vector<1x16xf32>,
          %get3A_96 = arith.index_cast %scan3A_73 : i32 to index
          %get3A_97 = arith.constant 32 : index
          %get3A_98 = tpu.vector_load %arg8[%get3A_96, %get3A_97] {strides = array<i32>} : memref<512x64xf32, #tpu.memory_space<vmem>>, vector<1x16xf32>,
          %get3A_99 = vector.shape_cast %get3A_98 : vector<1x16xf32> to vector<16xf32>
          %mul3A_100 = arith.constant 8.000000e+00 : f32
          %mul3A_101 = vector.broadcast %mul3A_100 : f32 to vector<16xf32>
          %mul3A_102 = arith.mulf %get3A_99, %mul3A_101 : vector<16xf32>
          %swap3A_103 = arith.index_cast %scan3A_73 : i32 to index
          %swap3A_104 = arith.constant 32 : index
          %swap3A_105 = tpu.vector_load %arg8[%swap3A_103, %swap3A_104] {strides = array<i32>} : memref<512x64xf32, #tpu.memory_space<vmem>>, vector<1x16xf32>,
          %swap3A_106 = vector.shape_cast %swap3A_105 : vector<1x16xf32> to vector<16xf32>
          %swap3A_107 = vector.shape_cast %mul3A_102 : vector<16xf32> to vector<1x16xf32>
          tpu.vector_store %arg8[%swap3A_103, %swap3A_104], %swap3A_107 {strides = array<i32>} : memref<512x64xf32, #tpu.memory_space<vmem>>, vector<1x16xf32>,
          %get3A_108 = arith.index_cast %scan3A_73 : i32 to index
          %get3A_109 = arith.constant 48 : index
          %get3A_110 = tpu.vector_load %arg8[%get3A_108, %get3A_109] {strides = array<i32>} : memref<512x64xf32, #tpu.memory_space<vmem>>, vector<1x16xf32>,
          %get3A_111 = vector.shape_cast %get3A_110 : vector<1x16xf32> to vector<16xf32>
          %mul3A_112 = arith.constant 8.000000e+00 : f32
          %mul3A_113 = vector.broadcast %mul3A_112 : f32 to vector<16xf32>
          %mul3A_114 = arith.mulf %get3A_111, %mul3A_113 : vector<16xf32>
          %swap3A_115 = arith.index_cast %scan3A_73 : i32 to index
          %swap3A_116 = arith.constant 48 : index
          %swap3A_117 = tpu.vector_load %arg8[%swap3A_115, %swap3A_116] {strides = array<i32>} : memref<512x64xf32, #tpu.memory_space<vmem>>, vector<1x16xf32>,
          %swap3A_118 = vector.shape_cast %swap3A_117 : vector<1x16xf32> to vector<16xf32>
          %swap3A_119 = vector.shape_cast %mul3A_114 : vector<16xf32> to vector<1x16xf32>
          tpu.vector_store %arg8[%swap3A_115, %swap3A_116], %swap3A_119 {strides = array<i32>} : memref<512x64xf32, #tpu.memory_space<vmem>>, vector<1x16xf32>,
          %scan3A_120 = arith.constant 1 : i32
          %scan3A_121 = arith.addi %scan3A_73, %scan3A_120 : i32
          %get3A_122 = arith.index_cast %scan3A_121 : i32 to index
          %get3A_123 = arith.constant 0 : index
          %get3A_124 = tpu.vector_load %arg8[%get3A_122, %get3A_123] {strides = array<i32>} : memref<512x64xf32, #tpu.memory_space<vmem>>, vector<1x16xf32>,
          %get3A_125 = vector.shape_cast %get3A_124 : vector<1x16xf32> to vector<16xf32>
          %mul3A_126 = arith.constant 8.000000e+00 : f32
          %mul3A_127 = vector.broadcast %mul3A_126 : f32 to vector<16xf32>
          %mul3A_128 = arith.mulf %get3A_125, %mul3A_127 : vector<16xf32>
          %swap3A_129 = arith.index_cast %scan3A_121 : i32 to index
          %swap3A_130 = arith.constant 0 : index
          %swap3A_131 = tpu.vector_load %arg8[%swap3A_129, %swap3A_130] {strides = array<i32>} : memref<512x64xf32, #tpu.memory_space<vmem>>, vector<1x16xf32>,
          %swap3A_132 = vector.shape_cast %swap3A_131 : vector<1x16xf32> to vector<16xf32>
          %swap3A_133 = vector.shape_cast %mul3A_128 : vector<16xf32> to vector<1x16xf32>
          tpu.vector_store %arg8[%swap3A_129, %swap3A_130], %swap3A_133 {strides = array<i32>} : memref<512x64xf32, #tpu.memory_space<vmem>>, vector<1x16xf32>,
          %get3A_134 = arith.index_cast %scan3A_121 : i32 to index
          %get3A_135 = arith.constant 16 : index
          %get3A_136 = tpu.vector_load %arg8[%get3A_134, %get3A_135] {strides = array<i32>} : memref<512x64xf32, #tpu.memory_space<vmem>>, vector<1x16xf32>,
          %get3A_137 = vector.shape_cast %get3A_136 : vector<1x16xf32> to vector<16xf32>
          %mul3A_138 = arith.constant 8.000000e+00 : f32
          %mul3A_139 = vector.broadcast %mul3A_138 : f32 to vector<16xf32>
          %mul3A_140 = arith.mulf %get3A_137, %mul3A_139 : vector<16xf32>
          %swap3A_141 = arith.index_cast %scan3A_121 : i32 to index
          %swap3A_142 = arith.constant 16 : index
          %swap3A_143 = tpu.vector_load %arg8[%swap3A_141, %swap3A_142] {strides = array<i32>} : memref<512x64xf32, #tpu.memory_space<vmem>>, vector<1x16xf32>,
          %swap3A_144 = vector.shape_cast %swap3A_143 : vector<1x16xf32> to vector<16xf32>
          %swap3A_145 = vector.shape_cast %mul3A_140 : vector<16xf32> to vector<1x16xf32>
          tpu.vector_store %arg8[%swap3A_141, %swap3A_142], %swap3A_145 {strides = array<i32>} : memref<512x64xf32, #tpu.memory_space<vmem>>, vector<1x16xf32>,
          %get3A_146 = arith.index_cast %scan3A_121 : i32 to index
          %get3A_147 = arith.constant 32 : index
          %get3A_148 = tpu.vector_load %arg8[%get3A_146, %get3A_147] {strides = array<i32>} : memref<512x64xf32, #tpu.memory_space<vmem>>, vector<1x16xf32>,
          %get3A_149 = vector.shape_cast %get3A_148 : vector<1x16xf32> to vector<16xf32>
          %mul3A_150 = arith.constant 8.000000e+00 : f32
          %mul3A_151 = vector.broadcast %mul3A_150 : f32 to vector<16xf32>
          %mul3A_152 = arith.mulf %get3A_149, %mul3A_151 : vector<16xf32>
          %swap3A_153 = arith.index_cast %scan3A_121 : i32 to index
          %swap3A_154 = arith.constant 32 : index
          %swap3A_155 = tpu.vector_load %arg8[%swap3A_153, %swap3A_154] {strides = array<i32>} : memref<512x64xf32, #tpu.memory_space<vmem>>, vector<1x16xf32>,
          %swap3A_156 = vector.shape_cast %swap3A_155 : vector<1x16xf32> to vector<16xf32>
          %swap3A_157 = vector.shape_cast %mul3A_152 : vector<16xf32> to vector<1x16xf32>
          tpu.vector_store %arg8[%swap3A_153, %swap3A_154], %swap3A_157 {strides = array<i32>} : memref<512x64xf32, #tpu.memory_space<vmem>>, vector<1x16xf32>,
          %get3A_158 = arith.index_cast %scan3A_121 : i32 to index
          %get3A_159 = arith.constant 48 : index
          %get3A_160 = tpu.vector_load %arg8[%get3A_158, %get3A_159] {strides = array<i32>} : memref<512x64xf32, #tpu.memory_space<vmem>>, vector<1x16xf32>,
          %get3A_161 = vector.shape_cast %get3A_160 : vector<1x16xf32> to vector<16xf32>
          %mul3A_162 = arith.constant 8.000000e+00 : f32
          %mul3A_163 = vector.broadcast %mul3A_162 : f32 to vector<16xf32>
          %mul3A_164 = arith.mulf %get3A_161, %mul3A_163 : vector<16xf32>
          %swap3A_165 = arith.index_cast %scan3A_121 : i32 to index
          %swap3A_166 = arith.constant 48 : index
          %swap3A_167 = tpu.vector_load %arg8[%swap3A_165, %swap3A_166] {strides = array<i32>} : memref<512x64xf32, #tpu.memory_space<vmem>>, vector<1x16xf32>,
          %swap3A_168 = vector.shape_cast %swap3A_167 : vector<1x16xf32> to vector<16xf32>
          %swap3A_169 = vector.shape_cast %mul3A_164 : vector<16xf32> to vector<1x16xf32>
          tpu.vector_store %arg8[%swap3A_165, %swap3A_166], %swap3A_169 {strides = array<i32>} : memref<512x64xf32, #tpu.memory_space<vmem>>, vector<1x16xf32>,
          %scan3A_170 = arith.constant 2 : i32
          %scan3A_171 = arith.addi %scan3A_73, %scan3A_170 : i32
          %get3A_172 = arith.index_cast %scan3A_171 : i32 to index
          %get3A_173 = arith.constant 0 : index
          %get3A_174 = tpu.vector_load %arg8[%get3A_172, %get3A_173] {strides = array<i32>} : memref<512x64xf32, #tpu.memory_space<vmem>>, vector<1x16xf32>,
          %get3A_175 = vector.shape_cast %get3A_174 : vector<1x16xf32> to vector<16xf32>
          %mul3A_176 = arith.constant 8.000000e+00 : f32
          %mul3A_177 = vector.broadcast %mul3A_176 : f32 to vector<16xf32>
          %mul3A_178 = arith.mulf %get3A_175, %mul3A_177 : vector<16xf32>
          %swap3A_179 = arith.index_cast %scan3A_171 : i32 to index
          %swap3A_180 = arith.constant 0 : index
          %swap3A_181 = tpu.vector_load %arg8[%swap3A_179, %swap3A_180] {strides = array<i32>} : memref<512x64xf32, #tpu.memory_space<vmem>>, vector<1x16xf32>,
          %swap3A_182 = vector.shape_cast %swap3A_181 : vector<1x16xf32> to vector<16xf32>
          %swap3A_183 = vector.shape_cast %mul3A_178 : vector<16xf32> to vector<1x16xf32>
          tpu.vector_store %arg8[%swap3A_179, %swap3A_180], %swap3A_183 {strides = array<i32>} : memref<512x64xf32, #tpu.memory_space<vmem>>, vector<1x16xf32>,
          %get3A_184 = arith.index_cast %scan3A_171 : i32 to index
          %get3A_185 = arith.constant 16 : index
          %get3A_186 = tpu.vector_load %arg8[%get3A_184, %get3A_185] {strides = array<i32>} : memref<512x64xf32, #tpu.memory_space<vmem>>, vector<1x16xf32>,
          %get3A_187 = vector.shape_cast %get3A_186 : vector<1x16xf32> to vector<16xf32>
          %mul3A_188 = arith.constant 8.000000e+00 : f32
          %mul3A_189 = vector.broadcast %mul3A_188 : f32 to vector<16xf32>
          %mul3A_190 = arith.mulf %get3A_187, %mul3A_189 : vector<16xf32>
          %swap3A_191 = arith.index_cast %scan3A_171 : i32 to index
          %swap3A_192 = arith.constant 16 : index
          %swap3A_193 = tpu.vector_load %arg8[%swap3A_191, %swap3A_192] {strides = array<i32>} : memref<512x64xf32, #tpu.memory_space<vmem>>, vector<1x16xf32>,
          %swap3A_194 = vector.shape_cast %swap3A_193 : vector<1x16xf32> to vector<16xf32>
          %swap3A_195 = vector.shape_cast %mul3A_190 : vector<16xf32> to vector<1x16xf32>
          tpu.vector_store %arg8[%swap3A_191, %swap3A_192], %swap3A_195 {strides = array<i32>} : memref<512x64xf32, #tpu.memory_space<vmem>>, vector<1x16xf32>,
          %get3A_196 = arith.index_cast %scan3A_171 : i32 to index
          %get3A_197 = arith.constant 32 : index
          %get3A_198 = tpu.vector_load %arg8[%get3A_196, %get3A_197] {strides = array<i32>} : memref<512x64xf32, #tpu.memory_space<vmem>>, vector<1x16xf32>,
          %get3A_199 = vector.shape_cast %get3A_198 : vector<1x16xf32> to vector<16xf32>
          %mul3A_200 = arith.constant 8.000000e+00 : f32
          %mul3A_201 = vector.broadcast %mul3A_200 : f32 to vector<16xf32>
          %mul3A_202 = arith.mulf %get3A_199, %mul3A_201 : vector<16xf32>
          %swap3A_203 = arith.index_cast %scan3A_171 : i32 to index
          %swap3A_204 = arith.constant 32 : index
          %swap3A_205 = tpu.vector_load %arg8[%swap3A_203, %swap3A_204] {strides = array<i32>} : memref<512x64xf32, #tpu.memory_space<vmem>>, vector<1x16xf32>,
          %swap3A_206 = vector.shape_cast %swap3A_205 : vector<1x16xf32> to vector<16xf32>
          %swap3A_207 = vector.shape_cast %mul3A_202 : vector<16xf32> to vector<1x16xf32>
          tpu.vector_store %arg8[%swap3A_203, %swap3A_204], %swap3A_207 {strides = array<i32>} : memref<512x64xf32, #tpu.memory_space<vmem>>, vector<1x16xf32>,
          %get3A_208 = arith.index_cast %scan3A_171 : i32 to index
          %get3A_209 = arith.constant 48 : index
          %get3A_210 = tpu.vector_load %arg8[%get3A_208, %get3A_209] {strides = array<i32>} : memref<512x64xf32, #tpu.memory_space<vmem>>, vector<1x16xf32>,
          %get3A_211 = vector.shape_cast %get3A_210 : vector<1x16xf32> to vector<16xf32>
          %mul3A_212 = arith.constant 8.000000e+00 : f32
          %mul3A_213 = vector.broadcast %mul3A_212 : f32 to vector<16xf32>
          %mul3A_214 = arith.mulf %get3A_211, %mul3A_213 : vector<16xf32>
          %swap3A_215 = arith.index_cast %scan3A_171 : i32 to index
          %swap3A_216 = arith.constant 48 : index
          %swap3A_217 = tpu.vector_load %arg8[%swap3A_215, %swap3A_216] {strides = array<i32>} : memref<512x64xf32, #tpu.memory_space<vmem>>, vector<1x16xf32>,
          %swap3A_218 = vector.shape_cast %swap3A_217 : vector<1x16xf32> to vector<16xf32>
          %swap3A_219 = vector.shape_cast %mul3A_214 : vector<16xf32> to vector<1x16xf32>
          tpu.vector_store %arg8[%swap3A_215, %swap3A_216], %swap3A_219 {strides = array<i32>} : memref<512x64xf32, #tpu.memory_space<vmem>>, vector<1x16xf32>,
          %scan3A_220 = arith.constant 3 : i32
          %scan3A_221 = arith.addi %scan3A_73, %scan3A_220 : i32
          %get3A_222 = arith.index_cast %scan3A_221 : i32 to index
          %get3A_223 = arith.constant 0 : index
          %get3A_224 = tpu.vector_load %arg8[%get3A_222, %get3A_223] {strides = array<i32>} : memref<512x64xf32, #tpu.memory_space<vmem>>, vector<1x16xf32>,
          %get3A_225 = vector.shape_cast %get3A_224 : vector<1x16xf32> to vector<16xf32>
          %mul3A_226 = arith.constant 8.000000e+00 : f32
          %mul3A_227 = vector.broadcast %mul3A_226 : f32 to vector<16xf32>
          %mul3A_228 = arith.mulf %get3A_225, %mul3A_227 : vector<16xf32>
          %swap3A_229 = arith.index_cast %scan3A_221 : i32 to index
          %swap3A_230 = arith.constant 0 : index
          %swap3A_231 = tpu.vector_load %arg8[%swap3A_229, %swap3A_230] {strides = array<i32>} : memref<512x64xf32, #tpu.memory_space<vmem>>, vector<1x16xf32>,
          %swap3A_232 = vector.shape_cast %swap3A_231 : vector<1x16xf32> to vector<16xf32>
          %swap3A_233 = vector.shape_cast %mul3A_228 : vector<16xf32> to vector<1x16xf32>
          tpu.vector_store %arg8[%swap3A_229, %swap3A_230], %swap3A_233 {strides = array<i32>} : memref<512x64xf32, #tpu.memory_space<vmem>>, vector<1x16xf32>,
          %get3A_234 = arith.index_cast %scan3A_221 : i32 to index
          %get3A_235 = arith.constant 16 : index
          %get3A_236 = tpu.vector_load %arg8[%get3A_234, %get3A_235] {strides = array<i32>} : memref<512x64xf32, #tpu.memory_space<vmem>>, vector<1x16xf32>,
          %get3A_237 = vector.shape_cast %get3A_236 : vector<1x16xf32> to vector<16xf32>
          %mul3A_238 = arith.constant 8.000000e+00 : f32
          %mul3A_239 = vector.broadcast %mul3A_238 : f32 to vector<16xf32>
          %mul3A_240 = arith.mulf %get3A_237, %mul3A_239 : vector<16xf32>
          %swap3A_241 = arith.index_cast %scan3A_221 : i32 to index
          %swap3A_242 = arith.constant 16 : index
          %swap3A_243 = tpu.vector_load %arg8[%swap3A_241, %swap3A_242] {strides = array<i32>} : memref<512x64xf32, #tpu.memory_space<vmem>>, vector<1x16xf32>,
          %swap3A_244 = vector.shape_cast %swap3A_243 : vector<1x16xf32> to vector<16xf32>
          %swap3A_245 = vector.shape_cast %mul3A_240 : vector<16xf32> to vector<1x16xf32>
          tpu.vector_store %arg8[%swap3A_241, %swap3A_242], %swap3A_245 {strides = array<i32>} : memref<512x64xf32, #tpu.memory_space<vmem>>, vector<1x16xf32>,
          %get3A_246 = arith.index_cast %scan3A_221 : i32 to index
          %get3A_247 = arith.constant 32 : index
          %get3A_248 = tpu.vector_load %arg8[%get3A_246, %get3A_247] {strides = array<i32>} : memref<512x64xf32, #tpu.memory_space<vmem>>, vector<1x16xf32>,
          %get3A_249 = vector.shape_cast %get3A_248 : vector<1x16xf32> to vector<16xf32>
          %mul3A_250 = arith.constant 8.000000e+00 : f32
          %mul3A_251 = vector.broadcast %mul3A_250 : f32 to vector<16xf32>
          %mul3A_252 = arith.mulf %get3A_249, %mul3A_251 : vector<16xf32>
          %swap3A_253 = arith.index_cast %scan3A_221 : i32 to index
          %swap3A_254 = arith.constant 32 : index
          %swap3A_255 = tpu.vector_load %arg8[%swap3A_253, %swap3A_254] {strides = array<i32>} : memref<512x64xf32, #tpu.memory_space<vmem>>, vector<1x16xf32>,
          %swap3A_256 = vector.shape_cast %swap3A_255 : vector<1x16xf32> to vector<16xf32>
          %swap3A_257 = vector.shape_cast %mul3A_252 : vector<16xf32> to vector<1x16xf32>
          tpu.vector_store %arg8[%swap3A_253, %swap3A_254], %swap3A_257 {strides = array<i32>} : memref<512x64xf32, #tpu.memory_space<vmem>>, vector<1x16xf32>,
          %get3A_258 = arith.index_cast %scan3A_221 : i32 to index
          %get3A_259 = arith.constant 48 : index
          %get3A_260 = tpu.vector_load %arg8[%get3A_258, %get3A_259] {strides = array<i32>} : memref<512x64xf32, #tpu.memory_space<vmem>>, vector<1x16xf32>,
          %get3A_261 = vector.shape_cast %get3A_260 : vector<1x16xf32> to vector<16xf32>
          %mul3A_262 = arith.constant 8.000000e+00 : f32
          %mul3A_263 = vector.broadcast %mul3A_262 : f32 to vector<16xf32>
          %mul3A_264 = arith.mulf %get3A_261, %mul3A_263 : vector<16xf32>
          %swap3A_265 = arith.index_cast %scan3A_221 : i32 to index
          %swap3A_266 = arith.constant 48 : index
          %swap3A_267 = tpu.vector_load %arg8[%swap3A_265, %swap3A_266] {strides = array<i32>} : memref<512x64xf32, #tpu.memory_space<vmem>>, vector<1x16xf32>,
          %swap3A_268 = vector.shape_cast %swap3A_267 : vector<1x16xf32> to vector<16xf32>
          %swap3A_269 = vector.shape_cast %mul3A_264 : vector<16xf32> to vector<1x16xf32>
          tpu.vector_store %arg8[%swap3A_265, %swap3A_266], %swap3A_269 {strides = array<i32>} : memref<512x64xf32, #tpu.memory_space<vmem>>, vector<1x16xf32>,
          %scan3A_270 = arith.constant 4 : i32
          %scan3A_271 = arith.addi %scan3A_73, %scan3A_270 : i32
          %get3A_272 = arith.index_cast %scan3A_271 : i32 to index
          %get3A_273 = arith.constant 0 : index
          %get3A_274 = tpu.vector_load %arg8[%get3A_272, %get3A_273] {strides = array<i32>} : memref<512x64xf32, #tpu.memory_space<vmem>>, vector<1x16xf32>,
          %get3A_275 = vector.shape_cast %get3A_274 : vector<1x16xf32> to vector<16xf32>
          %mul3A_276 = arith.constant 8.000000e+00 : f32
          %mul3A_277 = vector.broadcast %mul3A_276 : f32 to vector<16xf32>
          %mul3A_278 = arith.mulf %get3A_275, %mul3A_277 : vector<16xf32>
          %swap3A_279 = arith.index_cast %scan3A_271 : i32 to index
          %swap3A_280 = arith.constant 0 : index
          %swap3A_281 = tpu.vector_load %arg8[%swap3A_279, %swap3A_280] {strides = array<i32>} : memref<512x64xf32, #tpu.memory_space<vmem>>, vector<1x16xf32>,
          %swap3A_282 = vector.shape_cast %swap3A_281 : vector<1x16xf32> to vector<16xf32>
          %swap3A_283 = vector.shape_cast %mul3A_278 : vector<16xf32> to vector<1x16xf32>
          tpu.vector_store %arg8[%swap3A_279, %swap3A_280], %swap3A_283 {strides = array<i32>} : memref<512x64xf32, #tpu.memory_space<vmem>>, vector<1x16xf32>,
          %get3A_284 = arith.index_cast %scan3A_271 : i32 to index
          %get3A_285 = arith.constant 16 : index
          %get3A_286 = tpu.vector_load %arg8[%get3A_284, %get3A_285] {strides = array<i32>} : memref<512x64xf32, #tpu.memory_space<vmem>>, vector<1x16xf32>,
          %get3A_287 = vector.shape_cast %get3A_286 : vector<1x16xf32> to vector<16xf32>
          %mul3A_288 = arith.constant 8.000000e+00 : f32
          %mul3A_289 = vector.broadcast %mul3A_288 : f32 to vector<16xf32>
          %mul3A_290 = arith.mulf %get3A_287, %mul3A_289 : vector<16xf32>
          %swap3A_291 = arith.index_cast %scan3A_271 : i32 to index
          %swap3A_292 = arith.constant 16 : index
          %swap3A_293 = tpu.vector_load %arg8[%swap3A_291, %swap3A_292] {strides = array<i32>} : memref<512x64xf32, #tpu.memory_space<vmem>>, vector<1x16xf32>,
          %swap3A_294 = vector.shape_cast %swap3A_293 : vector<1x16xf32> to vector<16xf32>
          %swap3A_295 = vector.shape_cast %mul3A_290 : vector<16xf32> to vector<1x16xf32>
          tpu.vector_store %arg8[%swap3A_291, %swap3A_292], %swap3A_295 {strides = array<i32>} : memref<512x64xf32, #tpu.memory_space<vmem>>, vector<1x16xf32>,
          %get3A_296 = arith.index_cast %scan3A_271 : i32 to index
          %get3A_297 = arith.constant 32 : index
          %get3A_298 = tpu.vector_load %arg8[%get3A_296, %get3A_297] {strides = array<i32>} : memref<512x64xf32, #tpu.memory_space<vmem>>, vector<1x16xf32>,
          %get3A_299 = vector.shape_cast %get3A_298 : vector<1x16xf32> to vector<16xf32>
          %mul3A_300 = arith.constant 8.000000e+00 : f32
          %mul3A_301 = vector.broadcast %mul3A_300 : f32 to vector<16xf32>
          %mul3A_302 = arith.mulf %get3A_299, %mul3A_301 : vector<16xf32>
          %swap3A_303 = arith.index_cast %scan3A_271 : i32 to index
          %swap3A_304 = arith.constant 32 : index
          %swap3A_305 = tpu.vector_load %arg8[%swap3A_303, %swap3A_304] {strides = array<i32>} : memref<512x64xf32, #tpu.memory_space<vmem>>, vector<1x16xf32>,
          %swap3A_306 = vector.shape_cast %swap3A_305 : vector<1x16xf32> to vector<16xf32>
          %swap3A_307 = vector.shape_cast %mul3A_302 : vector<16xf32> to vector<1x16xf32>
          tpu.vector_store %arg8[%swap3A_303, %swap3A_304], %swap3A_307 {strides = array<i32>} : memref<512x64xf32, #tpu.memory_space<vmem>>, vector<1x16xf32>,
          %get3A_308 = arith.index_cast %scan3A_271 : i32 to index
          %get3A_309 = arith.constant 48 : index
          %get3A_310 = tpu.vector_load %arg8[%get3A_308, %get3A_309] {strides = array<i32>} : memref<512x64xf32, #tpu.memory_space<vmem>>, vector<1x16xf32>,
          %get3A_311 = vector.shape_cast %get3A_310 : vector<1x16xf32> to vector<16xf32>
          %mul3A_312 = arith.constant 8.000000e+00 : f32
          %mul3A_313 = vector.broadcast %mul3A_312 : f32 to vector<16xf32>
          %mul3A_314 = arith.mulf %get3A_311, %mul3A_313 : vector<16xf32>
          %swap3A_315 = arith.index_cast %scan3A_271 : i32 to index
          %swap3A_316 = arith.constant 48 : index
          %swap3A_317 = tpu.vector_load %arg8[%swap3A_315, %swap3A_316] {strides = array<i32>} : memref<512x64xf32, #tpu.memory_space<vmem>>, vector<1x16xf32>,
          %swap3A_318 = vector.shape_cast %swap3A_317 : vector<1x16xf32> to vector<16xf32>
          %swap3A_319 = vector.shape_cast %mul3A_314 : vector<16xf32> to vector<1x16xf32>
          tpu.vector_store %arg8[%swap3A_315, %swap3A_316], %swap3A_319 {strides = array<i32>} : memref<512x64xf32, #tpu.memory_space<vmem>>, vector<1x16xf32>,
          %scan3A_320 = arith.constant 5 : i32
          %scan3A_321 = arith.addi %scan3A_73, %scan3A_320 : i32
          %get3A_322 = arith.index_cast %scan3A_321 : i32 to index
          %get3A_323 = arith.constant 0 : index
          %get3A_324 = tpu.vector_load %arg8[%get3A_322, %get3A_323] {strides = array<i32>} : memref<512x64xf32, #tpu.memory_space<vmem>>, vector<1x16xf32>,
          %get3A_325 = vector.shape_cast %get3A_324 : vector<1x16xf32> to vector<16xf32>
          %mul3A_326 = arith.constant 8.000000e+00 : f32
          %mul3A_327 = vector.broadcast %mul3A_326 : f32 to vector<16xf32>
          %mul3A_328 = arith.mulf %get3A_325, %mul3A_327 : vector<16xf32>
          %swap3A_329 = arith.index_cast %scan3A_321 : i32 to index
          %swap3A_330 = arith.constant 0 : index
          %swap3A_331 = tpu.vector_load %arg8[%swap3A_329, %swap3A_330] {strides = array<i32>} : memref<512x64xf32, #tpu.memory_space<vmem>>, vector<1x16xf32>,
          %swap3A_332 = vector.shape_cast %swap3A_331 : vector<1x16xf32> to vector<16xf32>
          %swap3A_333 = vector.shape_cast %mul3A_328 : vector<16xf32> to vector<1x16xf32>
          tpu.vector_store %arg8[%swap3A_329, %swap3A_330], %swap3A_333 {strides = array<i32>} : memref<512x64xf32, #tpu.memory_space<vmem>>, vector<1x16xf32>,
          %get3A_334 = arith.index_cast %scan3A_321 : i32 to index
          %get3A_335 = arith.constant 16 : index
          %get3A_336 = tpu.vector_load %arg8[%get3A_334, %get3A_335] {strides = array<i32>} : memref<512x64xf32, #tpu.memory_space<vmem>>, vector<1x16xf32>,
          %get3A_337 = vector.shape_cast %get3A_336 : vector<1x16xf32> to vector<16xf32>
          %mul3A_338 = arith.constant 8.000000e+00 : f32
          %mul3A_339 = vector.broadcast %mul3A_338 : f32 to vector<16xf32>
          %mul3A_340 = arith.mulf %get3A_337, %mul3A_339 : vector<16xf32>
          %swap3A_341 = arith.index_cast %scan3A_321 : i32 to index
          %swap3A_342 = arith.constant 16 : index
          %swap3A_343 = tpu.vector_load %arg8[%swap3A_341, %swap3A_342] {strides = array<i32>} : memref<512x64xf32, #tpu.memory_space<vmem>>, vector<1x16xf32>,
          %swap3A_344 = vector.shape_cast %swap3A_343 : vector<1x16xf32> to vector<16xf32>
          %swap3A_345 = vector.shape_cast %mul3A_340 : vector<16xf32> to vector<1x16xf32>
          tpu.vector_store %arg8[%swap3A_341, %swap3A_342], %swap3A_345 {strides = array<i32>} : memref<512x64xf32, #tpu.memory_space<vmem>>, vector<1x16xf32>,
          %get3A_346 = arith.index_cast %scan3A_321 : i32 to index
          %get3A_347 = arith.constant 32 : index
          %get3A_348 = tpu.vector_load %arg8[%get3A_346, %get3A_347] {strides = array<i32>} : memref<512x64xf32, #tpu.memory_space<vmem>>, vector<1x16xf32>,
          %get3A_349 = vector.shape_cast %get3A_348 : vector<1x16xf32> to vector<16xf32>
          %mul3A_350 = arith.constant 8.000000e+00 : f32
          %mul3A_351 = vector.broadcast %mul3A_350 : f32 to vector<16xf32>
          %mul3A_352 = arith.mulf %get3A_349, %mul3A_351 : vector<16xf32>
          %swap3A_353 = arith.index_cast %scan3A_321 : i32 to index
          %swap3A_354 = arith.constant 32 : index
          %swap3A_355 = tpu.vector_load %arg8[%swap3A_353, %swap3A_354] {strides = array<i32>} : memref<512x64xf32, #tpu.memory_space<vmem>>, vector<1x16xf32>,
          %swap3A_356 = vector.shape_cast %swap3A_355 : vector<1x16xf32> to vector<16xf32>
          %swap3A_357 = vector.shape_cast %mul3A_352 : vector<16xf32> to vector<1x16xf32>
          tpu.vector_store %arg8[%swap3A_353, %swap3A_354], %swap3A_357 {strides = array<i32>} : memref<512x64xf32, #tpu.memory_space<vmem>>, vector<1x16xf32>,
          %get3A_358 = arith.index_cast %scan3A_321 : i32 to index
          %get3A_359 = arith.constant 48 : index
          %get3A_360 = tpu.vector_load %arg8[%get3A_358, %get3A_359] {strides = array<i32>} : memref<512x64xf32, #tpu.memory_space<vmem>>, vector<1x16xf32>,
          %get3A_361 = vector.shape_cast %get3A_360 : vector<1x16xf32> to vector<16xf32>
          %mul3A_362 = arith.constant 8.000000e+00 : f32
          %mul3A_363 = vector.broadcast %mul3A_362 : f32 to vector<16xf32>
          %mul3A_364 = arith.mulf %get3A_361, %mul3A_363 : vector<16xf32>
          %swap3A_365 = arith.index_cast %scan3A_321 : i32 to index
          %swap3A_366 = arith.constant 48 : index
          %swap3A_367 = tpu.vector_load %arg8[%swap3A_365, %swap3A_366] {strides = array<i32>} : memref<512x64xf32, #tpu.memory_space<vmem>>, vector<1x16xf32>,
          %swap3A_368 = vector.shape_cast %swap3A_367 : vector<1x16xf32> to vector<16xf32>
          %swap3A_369 = vector.shape_cast %mul3A_364 : vector<16xf32> to vector<1x16xf32>
          tpu.vector_store %arg8[%swap3A_365, %swap3A_366], %swap3A_369 {strides = array<i32>} : memref<512x64xf32, #tpu.memory_space<vmem>>, vector<1x16xf32>,
          %scan3A_370 = arith.constant 6 : i32
          %scan3A_371 = arith.addi %scan3A_73, %scan3A_370 : i32
          %get3A_372 = arith.index_cast %scan3A_371 : i32 to index
          %get3A_373 = arith.constant 0 : index
          %get3A_374 = tpu.vector_load %arg8[%get3A_372, %get3A_373] {strides = array<i32>} : memref<512x64xf32, #tpu.memory_space<vmem>>, vector<1x16xf32>,
          %get3A_375 = vector.shape_cast %get3A_374 : vector<1x16xf32> to vector<16xf32>
          %mul3A_376 = arith.constant 8.000000e+00 : f32
          %mul3A_377 = vector.broadcast %mul3A_376 : f32 to vector<16xf32>
          %mul3A_378 = arith.mulf %get3A_375, %mul3A_377 : vector<16xf32>
          %swap3A_379 = arith.index_cast %scan3A_371 : i32 to index
          %swap3A_380 = arith.constant 0 : index
          %swap3A_381 = tpu.vector_load %arg8[%swap3A_379, %swap3A_380] {strides = array<i32>} : memref<512x64xf32, #tpu.memory_space<vmem>>, vector<1x16xf32>,
          %swap3A_382 = vector.shape_cast %swap3A_381 : vector<1x16xf32> to vector<16xf32>
          %swap3A_383 = vector.shape_cast %mul3A_378 : vector<16xf32> to vector<1x16xf32>
          tpu.vector_store %arg8[%swap3A_379, %swap3A_380], %swap3A_383 {strides = array<i32>} : memref<512x64xf32, #tpu.memory_space<vmem>>, vector<1x16xf32>,
          %get3A_384 = arith.index_cast %scan3A_371 : i32 to index
          %get3A_385 = arith.constant 16 : index
          %get3A_386 = tpu.vector_load %arg8[%get3A_384, %get3A_385] {strides = array<i32>} : memref<512x64xf32, #tpu.memory_space<vmem>>, vector<1x16xf32>,
          %get3A_387 = vector.shape_cast %get3A_386 : vector<1x16xf32> to vector<16xf32>
          %mul3A_388 = arith.constant 8.000000e+00 : f32
          %mul3A_389 = vector.broadcast %mul3A_388 : f32 to vector<16xf32>
          %mul3A_390 = arith.mulf %get3A_387, %mul3A_389 : vector<16xf32>
          %swap3A_391 = arith.index_cast %scan3A_371 : i32 to index
          %swap3A_392 = arith.constant 16 : index
          %swap3A_393 = tpu.vector_load %arg8[%swap3A_391, %swap3A_392] {strides = array<i32>} : memref<512x64xf32, #tpu.memory_space<vmem>>, vector<1x16xf32>,
          %swap3A_394 = vector.shape_cast %swap3A_393 : vector<1x16xf32> to vector<16xf32>
          %swap3A_395 = vector.shape_cast %mul3A_390 : vector<16xf32> to vector<1x16xf32>
          tpu.vector_store %arg8[%swap3A_391, %swap3A_392], %swap3A_395 {strides = array<i32>} : memref<512x64xf32, #tpu.memory_space<vmem>>, vector<1x16xf32>,
          %get3A_396 = arith.index_cast %scan3A_371 : i32 to index
          %get3A_397 = arith.constant 32 : index
          %get3A_398 = tpu.vector_load %arg8[%get3A_396, %get3A_397] {strides = array<i32>} : memref<512x64xf32, #tpu.memory_space<vmem>>, vector<1x16xf32>,
          %get3A_399 = vector.shape_cast %get3A_398 : vector<1x16xf32> to vector<16xf32>
          %mul3A_400 = arith.constant 8.000000e+00 : f32
          %mul3A_401 = vector.broadcast %mul3A_400 : f32 to vector<16xf32>
          %mul3A_402 = arith.mulf %get3A_399, %mul3A_401 : vector<16xf32>
          %swap3A_403 = arith.index_cast %scan3A_371 : i32 to index
          %swap3A_404 = arith.constant 32 : index
          %swap3A_405 = tpu.vector_load %arg8[%swap3A_403, %swap3A_404] {strides = array<i32>} : memref<512x64xf32, #tpu.memory_space<vmem>>, vector<1x16xf32>,
          %swap3A_406 = vector.shape_cast %swap3A_405 : vector<1x16xf32> to vector<16xf32>
          %swap3A_407 = vector.shape_cast %mul3A_402 : vector<16xf32> to vector<1x16xf32>
          tpu.vector_store %arg8[%swap3A_403, %swap3A_404], %swap3A_407 {strides = array<i32>} : memref<512x64xf32, #tpu.memory_space<vmem>>, vector<1x16xf32>,
          %get3A_408 = arith.index_cast %scan3A_371 : i32 to index
          %get3A_409 = arith.constant 48 : index
          %get3A_410 = tpu.vector_load %arg8[%get3A_408, %get3A_409] {strides = array<i32>} : memref<512x64xf32, #tpu.memory_space<vmem>>, vector<1x16xf32>,
          %get3A_411 = vector.shape_cast %get3A_410 : vector<1x16xf32> to vector<16xf32>
          %mul3A_412 = arith.constant 8.000000e+00 : f32
          %mul3A_413 = vector.broadcast %mul3A_412 : f32 to vector<16xf32>
          %mul3A_414 = arith.mulf %get3A_411, %mul3A_413 : vector<16xf32>
          %swap3A_415 = arith.index_cast %scan3A_371 : i32 to index
          %swap3A_416 = arith.constant 48 : index
          %swap3A_417 = tpu.vector_load %arg8[%swap3A_415, %swap3A_416] {strides = array<i32>} : memref<512x64xf32, #tpu.memory_space<vmem>>, vector<1x16xf32>,
          %swap3A_418 = vector.shape_cast %swap3A_417 : vector<1x16xf32> to vector<16xf32>
          %swap3A_419 = vector.shape_cast %mul3A_414 : vector<16xf32> to vector<1x16xf32>
          tpu.vector_store %arg8[%swap3A_415, %swap3A_416], %swap3A_419 {strides = array<i32>} : memref<512x64xf32, #tpu.memory_space<vmem>>, vector<1x16xf32>,
          %scan3A_420 = arith.constant 7 : i32
          %scan3A_421 = arith.addi %scan3A_73, %scan3A_420 : i32
          %get3A_422 = arith.index_cast %scan3A_421 : i32 to index
          %get3A_423 = arith.constant 0 : index
          %get3A_424 = tpu.vector_load %arg8[%get3A_422, %get3A_423] {strides = array<i32>} : memref<512x64xf32, #tpu.memory_space<vmem>>, vector<1x16xf32>,
          %get3A_425 = vector.shape_cast %get3A_424 : vector<1x16xf32> to vector<16xf32>
          %mul3A_426 = arith.constant 8.000000e+00 : f32
          %mul3A_427 = vector.broadcast %mul3A_426 : f32 to vector<16xf32>
          %mul3A_428 = arith.mulf %get3A_425, %mul3A_427 : vector<16xf32>
          %swap3A_429 = arith.index_cast %scan3A_421 : i32 to index
          %swap3A_430 = arith.constant 0 : index
          %swap3A_431 = tpu.vector_load %arg8[%swap3A_429, %swap3A_430] {strides = array<i32>} : memref<512x64xf32, #tpu.memory_space<vmem>>, vector<1x16xf32>,
          %swap3A_432 = vector.shape_cast %swap3A_431 : vector<1x16xf32> to vector<16xf32>
          %swap3A_433 = vector.shape_cast %mul3A_428 : vector<16xf32> to vector<1x16xf32>
          tpu.vector_store %arg8[%swap3A_429, %swap3A_430], %swap3A_433 {strides = array<i32>} : memref<512x64xf32, #tpu.memory_space<vmem>>, vector<1x16xf32>,
          %get3A_434 = arith.index_cast %scan3A_421 : i32 to index
          %get3A_435 = arith.constant 16 : index
          %get3A_436 = tpu.vector_load %arg8[%get3A_434, %get3A_435] {strides = array<i32>} : memref<512x64xf32, #tpu.memory_space<vmem>>, vector<1x16xf32>,
          %get3A_437 = vector.shape_cast %get3A_436 : vector<1x16xf32> to vector<16xf32>
          %mul3A_438 = arith.constant 8.000000e+00 : f32
          %mul3A_439 = vector.broadcast %mul3A_438 : f32 to vector<16xf32>
          %mul3A_440 = arith.mulf %get3A_437, %mul3A_439 : vector<16xf32>
          %swap3A_441 = arith.index_cast %scan3A_421 : i32 to index
          %swap3A_442 = arith.constant 16 : index
          %swap3A_443 = tpu.vector_load %arg8[%swap3A_441, %swap3A_442] {strides = array<i32>} : memref<512x64xf32, #tpu.memory_space<vmem>>, vector<1x16xf32>,
          %swap3A_444 = vector.shape_cast %swap3A_443 : vector<1x16xf32> to vector<16xf32>
          %swap3A_445 = vector.shape_cast %mul3A_440 : vector<16xf32> to vector<1x16xf32>
          tpu.vector_store %arg8[%swap3A_441, %swap3A_442], %swap3A_445 {strides = array<i32>} : memref<512x64xf32, #tpu.memory_space<vmem>>, vector<1x16xf32>,
          %get3A_446 = arith.index_cast %scan3A_421 : i32 to index
          %get3A_447 = arith.constant 32 : index
          %get3A_448 = tpu.vector_load %arg8[%get3A_446, %get3A_447] {strides = array<i32>} : memref<512x64xf32, #tpu.memory_space<vmem>>, vector<1x16xf32>,
          %get3A_449 = vector.shape_cast %get3A_448 : vector<1x16xf32> to vector<16xf32>
          %mul3A_450 = arith.constant 8.000000e+00 : f32
          %mul3A_451 = vector.broadcast %mul3A_450 : f32 to vector<16xf32>
          %mul3A_452 = arith.mulf %get3A_449, %mul3A_451 : vector<16xf32>
          %swap3A_453 = arith.index_cast %scan3A_421 : i32 to index
          %swap3A_454 = arith.constant 32 : index
          %swap3A_455 = tpu.vector_load %arg8[%swap3A_453, %swap3A_454] {strides = array<i32>} : memref<512x64xf32, #tpu.memory_space<vmem>>, vector<1x16xf32>,
          %swap3A_456 = vector.shape_cast %swap3A_455 : vector<1x16xf32> to vector<16xf32>
          %swap3A_457 = vector.shape_cast %mul3A_452 : vector<16xf32> to vector<1x16xf32>
          tpu.vector_store %arg8[%swap3A_453, %swap3A_454], %swap3A_457 {strides = array<i32>} : memref<512x64xf32, #tpu.memory_space<vmem>>, vector<1x16xf32>,
          %get3A_458 = arith.index_cast %scan3A_421 : i32 to index
          %get3A_459 = arith.constant 48 : index
          %get3A_460 = tpu.vector_load %arg8[%get3A_458, %get3A_459] {strides = array<i32>} : memref<512x64xf32, #tpu.memory_space<vmem>>, vector<1x16xf32>,
          %get3A_461 = vector.shape_cast %get3A_460 : vector<1x16xf32> to vector<16xf32>
          %mul3A_462 = arith.constant 8.000000e+00 : f32
          %mul3A_463 = vector.broadcast %mul3A_462 : f32 to vector<16xf32>
          %mul3A_464 = arith.mulf %get3A_461, %mul3A_463 : vector<16xf32>
          %swap3A_465 = arith.index_cast %scan3A_421 : i32 to index
          %swap3A_466 = arith.constant 48 : index
          %swap3A_467 = tpu.vector_load %arg8[%swap3A_465, %swap3A_466] {strides = array<i32>} : memref<512x64xf32, #tpu.memory_space<vmem>>, vector<1x16xf32>,
          %swap3A_468 = vector.shape_cast %swap3A_467 : vector<1x16xf32> to vector<16xf32>
          %swap3A_469 = vector.shape_cast %mul3A_464 : vector<16xf32> to vector<1x16xf32>
          tpu.vector_store %arg8[%swap3A_465, %swap3A_466], %swap3A_469 {strides = array<i32>} : memref<512x64xf32, #tpu.memory_space<vmem>>, vector<1x16xf32>,
        }
        %scan3A_65 = arith.constant 512 : i32
        %mul3A_66 = arith.constant 512 : i32
        %mul3A_67 = arith.muli %add3A_42, %mul3A_66 : i32
        %add3A_68 = arith.addi %mul3A_2, %mul3A_67 : i32
        %dma_start3A_69 = arith.constant 0 : i32
        %dma_start3A_70 = tpu.memref_slice %arg4[%add3A_68, %dma_start3A_69] : memref<819200x128xf32, #tpu.memory_space<hbm>> -> memref<512x64xf32, #tpu.memory_space<hbm>>
        %dma_start3A_71 = arith.constant 0 : i32
        %dma_start3A_72 = tpu.memref_slice %arg4[%add3A_68, %dma_start3A_71] : memref<819200x128xf32, #tpu.memory_space<hbm>> -> memref<512x64xf32, #tpu.memory_space<hbm>>
        tpu.enqueue_dma source(%arg8 : memref<512x64xf32, #tpu.memory_space<vmem>>) target(%dma_start3A_72 : memref<512x64xf32, #tpu.memory_space<hbm>>) target_semaphore(%arg14 : memref<!tpu.dma_semaphore, #tpu.memory_space<semaphore_mem>>)
      } else {
      }
    }
    %scan3A_11 = arith.constant 17 : i32
    %dma_wait3A = arith.constant 0 : i32
    %dma_wait3A_12 = tpu.memref_slice %arg4[%mul3A_2, %dma_wait3A] : memref<819200x128xf32, #tpu.memory_space<hbm>> -> memref<512x64xf32, #tpu.memory_space<hbm>>
    %dma_wait3A_13 = arith.constant 0 : i32
    %dma_wait3A_14 = tpu.memref_slice %arg4[%mul3A_2, %dma_wait3A_13] : memref<819200x128xf32, #tpu.memory_space<hbm>> -> memref<512x64xf32, #tpu.memory_space<hbm>>
    tpu.wait_dma2 semaphore(%arg14 : memref<!tpu.dma_semaphore, #tpu.memory_space<semaphore_mem>>) src(%arg8 : memref<512x64xf32, #tpu.memory_space<vmem>>) dst(%dma_wait3A_14 : memref<512x64xf32, #tpu.memory_space<hbm>>)
    %dma_wait3A_15 = arith.constant 0 : i32
    %dma_wait3A_16 = tpu.memref_slice %arg4[%mul3A_2, %dma_wait3A_15] : memref<819200x128xf32, #tpu.memory_space<hbm>> -> memref<512x64xf32, #tpu.memory_space<hbm>>
    %dma_wait3A_17 = arith.constant 0 : i32
    %dma_wait3A_18 = tpu.memref_slice %arg4[%mul3A_2, %dma_wait3A_17] : memref<819200x128xf32, #tpu.memory_space<hbm>> -> memref<512x64xf32, #tpu.memory_space<hbm>>
    tpu.wait_dma2 semaphore(%arg12 : memref<!tpu.dma_semaphore, #tpu.memory_space<semaphore_mem>>) src(%arg6 : memref<512x64xf32, #tpu.memory_space<vmem>>) dst(%dma_wait3A_18 : memref<512x64xf32, #tpu.memory_space<hbm>>)
    %dma_wait3A_19 = arith.constant 0 : i32
    %dma_wait3A_20 = tpu.memref_slice %arg4[%mul3A_2, %dma_wait3A_19] : memref<819200x128xf32, #tpu.memory_space<hbm>> -> memref<512x64xf32, #tpu.memory_space<hbm>>
    %dma_wait3A_21 = arith.constant 0 : i32
    %dma_wait3A_22 = tpu.memref_slice %arg4[%mul3A_2, %dma_wait3A_21] : memref<819200x128xf32, #tpu.memory_space<hbm>> -> memref<512x64xf32, #tpu.memory_space<hbm>>
    tpu.wait_dma2 semaphore(%arg13 : memref<!tpu.dma_semaphore, #tpu.memory_space<semaphore_mem>>) src(%arg7 : memref<512x64xf32, #tpu.memory_space<vmem>>) dst(%dma_wait3A_22 : memref<512x64xf32, #tpu.memory_space<hbm>>)
    return
  }
}

</mosaic_0001>

<sc_bundles>
// kernel: kernel.3.cloned.1.call-start
scs
__scs_entry_jumppad:
0x0: {  	(pc) =	sbr.rel $0x88, $3  }
0x1: {  	(tag) =	ssettag $0x0;
	lr =	simm.s32 $0x1  }
0x2: {  	[smem:$0x3F9F] =	sst lr;
	_ =	strace $0xD0000000  }
0x3: {  	_ = 	snop  }
0x4: {  	_ = 	snop  }
0x5: {  	_ = 	snop  }
0x6: {  	_ = 	snop  }
0x7: {  	_ = 	snop  }
__scs_overlays_trampoline_lowered:
0x8: {  	[smem:$0x3FAE] =	sst s0  }
0x9: {  	[smem:$0x3FAF] =	sst s1  }
0xa: {  	[smem:$0x3FB0] =	sst s2  }
0xb: {  	[smem:$0x3FB1] =	sst s3  }
0xc: {  	[smem:$0x3FB2] =	sst s4  }
0xd: {  	[smem:$0x3FB3] =	sst s5  }
0xe: {  	[smem:$0x3FB4] =	sst s6  }
0xf: {  	[smem:$0x3FB5] =	sst s7  }
0x10: {  	[smem:$0x3FB6] =	sst s8  }
0x11: {  	[smem:$0x3FB7] =	sst s9;
	s0 =	simm.s32 @!p0 $0x0  }
0x12: {  	s1 =	sld [smem:$0x3F9D];
	s0 =	simm.s32 @p0 $0x1  }
0x13: {  	[smem:$0x3FB8] =	sst s0;
	s0 =	simm.s32 @!p1 $0x0  }
0x14: {  	s2 =	sld [smem:$0x3F9C];
	s0 =	simm.s32 @p1 $0x1  }
0x15: {  	[smem:$0x3FB9] =	sst s0;
	s0 =	simm.s32 @!p2 $0x0  }
0x16: {  	s3 =	sld [smem:$0x3FDB];
	s0 =	simm.s32 @p2 $0x1  }
0x17: {  	s4 =	simm.s32 $0x1BF5;
	[smem:$0x3FBB] =	sst s0  }
0x18: {  	s0 =	sld [smem:$0x3F9E];
	_ =	swait.ge [sflag:s4], $0x0  }
0x19: {  	s7 =	sld [smem:$0x3F9F]  }
0x1a: {  	s8 =	sadd.s32 $0xFFFFE003, lr  }
0x1b: {  	s9 =	sadd.s32 $0xFFFFFEF7, lr;
	s5 =	simm.s32 $0xFFFFFFFF;
	p2 =	slt.u32 s8, $0xFFFFF086  }
0x1c: {  	p1 =	slt.u32 s9, $0xF7A;
	s5 =	simm.s32 @!p2 $0x0  }
0x1d: {  	s5 =	simm.s32 @p1 $0x1;
	p0 =	seq.s32 s7, s2  }
0x1e: {  	s7 =	smul.u32 @!p0 $0xF7A, s2;
	p2 =	seq.s32 @!p0 s5, $0x0  }
0x1f: {  	s9 =	smul.u32 $0xF7A, s1;
	s8 =	simm.s32 @!p0 $0x1BF5;
	p2 =	por !p2, p0  }
0x20: {  	[sflag:s8] =	ssyncset.s32 @!p0 $0xFFFFF086;
	s6 =	sadd.s32 @!p0 s3, s7;
	s7 =	simm.s32 @!p0 $0x108  }
0x21: {  	s3 =	sadd.s32 s3, s9;
	s6 =	sadd.s32 @!p0 $0x88, s6;
	s7 =	simm.s32 @p2 $0x1082  }
0x22: {  	[simem:s7], [sflag:s8] =	dma.local @!p0 [hbm:s6], $0xF7A  }
0x23: {  	s9 =	sor.u32 $0xD0000000, s2;
	s6 =	simm.s32 $0x108;
	_ =	swait.ge @!p0 [sflag:s8], $0x0  }
0x24: {  	s3 =	sadd.s32 $0x88, s3;
	s6 =	simm.s32 @!p1 $0x1082;
	[sflag:s4] =	ssyncset.s32 $0xFFFFF086  }
0x25: {  	[simem:s6], [sflag:s4] =	dma.local [hbm:s3], $0xF7A  }
0x26: {  	[smem:$0x3F9F] =	sst s1;
	(tag) =	ssettag s2;
	_ =	strace s9  }
0x27: {  	s1 =	sld [smem:$0x3FAF]  }
0x28: {  	s2 =	sld [smem:$0x3FB0]  }
0x29: {  	s4 =	sld [smem:$0x3FB2]  }
0x2a: {  	p0 =	seq.s32 s5, $0x0;
	s5 =	sld [smem:$0x3FB3]  }
0x2b: {  	s6 =	sld [smem:$0x3FB4]  }
0x2c: {  	s7 =	sld [smem:$0x3FB5]  }
0x2d: {  	s3 =	simm.s32 $0x108;
	s8 =	sld [smem:$0x3FB6]  }
0x2e: {  	s3 =	simm.s32 @!p0 $0x1082;
	s9 =	sld [smem:$0x3FB7]  }
0x2f: {  	lr =	sadd.s32 s0, s3;
	s0 =	sld [smem:$0x3FAE]  }
0x30: {  	s3 =	sld [smem:$0x3FB1]  }
0x31: {  	[smem:$0x3FBA] =	sst s10  }
0x32: {  	s10 =	sld [smem:$0x3FB8];
	_ =	sdelay $0x3  }
0x33: {  	p0 =	seq.s32 s10, $0x1;
	s10 =	sld [smem:$0x3FBA];
	_ =	sdelay $0x3  }
0x34: {  	[smem:$0x3FBA] =	sst s10  }
0x35: {  	s10 =	sld [smem:$0x3FB9];
	_ =	sdelay $0x3  }
0x36: {  	p1 =	seq.s32 s10, $0x1;
	s10 =	sld [smem:$0x3FBA];
	_ =	sdelay $0x3  }
0x37: {  	[smem:$0x3FBA] =	sst s10  }
0x38: {  	s10 =	sld [smem:$0x3FBB]  }
0x39: {  	_ = 	snop;
	(pc) =	sbr.ind lr, $3  }
0x3a: {  	_ = 	snop  }
0x3b: {  	_ = 	snop  }
0x3c: {  	p2 =	seq.s32 s10, $0x1;
	s10 =	sld [smem:$0x3FBA]  }
0x3d: {  	_ =	shalt  }
0x3e: {  	_ =	shalt  }
0x3f: {  	_ =	shalt  }
0x40: {  	_ =	shalt  }
0x41: {  	_ =	shalt  }
0x42: {  	_ =	shalt  }
0x43: {  	_ =	shalt  }
0x44: {  	_ =	shalt  }
0x45: {  	_ =	shalt  }
0x46: {  	_ =	shalt  }
0x47: {  	_ =	shalt  }
0x48: {  	_ =	shalt  }
0x49: {  	_ =	shalt  }
0x4a: {  	_ =	shalt  }
0x4b: {  	_ =	shalt  }
0x4c: {  	_ =	shalt  }
0x4d: {  	_ =	shalt  }
0x4e: {  	_ =	shalt  }
0x4f: {  	_ =	shalt  }
0x50: {  	_ =	shalt  }
0x51: {  	_ =	shalt  }
0x52: {  	_ =	shalt  }
0x53: {  	_ =	shalt  }
0x54: {  	_ =	shalt  }
0x55: {  	_ =	shalt  }
0x56: {  	_ =	shalt  }
0x57: {  	_ =	shalt  }
0x58: {  	_ =	shalt  }
0x59: {  	_ =	shalt  }
0x5a: {  	_ =	shalt  }
0x5b: {  	_ =	shalt  }
0x5c: {  	_ =	shalt  }
0x5d: {  	_ =	shalt  }
0x5e: {  	_ =	shalt  }
0x5f: {  	_ =	shalt  }
0x60: {  	_ =	shalt  }
0x61: {  	_ =	shalt  }
0x62: {  	_ =	shalt  }
0x63: {  	_ =	shalt  }
0x64: {  	_ =	shalt  }
0x65: {  	_ =	shalt  }
0x66: {  	_ =	shalt  }
0x67: {  	_ =	shalt  }
0x68: {  	_ =	shalt  }
0x69: {  	_ =	shalt  }
0x6a: {  	_ =	shalt  }
0x6b: {  	_ =	shalt  }
0x6c: {  	_ =	shalt  }
0x6d: {  	_ =	shalt  }
0x6e: {  	_ =	shalt  }
0x6f: {  	_ =	shalt  }
0x70: {  	_ =	shalt  }
0x71: {  	_ =	shalt  }
0x72: {  	_ =	shalt  }
0x73: {  	_ =	shalt  }
0x74: {  	_ =	shalt  }
0x75: {  	_ =	shalt  }
0x76: {  	_ =	shalt  }
0x77: {  	_ =	shalt  }
0x78: {  	_ =	shalt  }
0x79: {  	_ =	shalt  }
0x7a: {  	_ =	shalt  }
0x7b: {  	_ =	shalt  }
0x7c: {  	_ =	shalt  }
0x7d: {  	_ =	shalt  }
0x7e: {  	_ =	shalt  }
0x7f: {  	_ =	shalt  }
0x80: {  	_ =	shalt  }
0x81: {  	_ =	shalt  }
0x82: {  	_ =	shalt  }
0x83: {  	_ =	shalt  }
0x84: {  	_ =	shalt  }
0x85: {  	_ =	shalt  }
0x86: {  	_ =	shalt  }
0x87: {  	_ =	shalt  }
.Lfunc_end0:
.L_simem_size_0:
called_computation.1_lowered:
.L_overlay_start_0:
0x88: {  	s2 =	sld [smem:$0x3FD9]  }
0x89: {  	s3 =	sld [smem:$0x3FFE];
	_ =	sdelay $0x1  }
0x8a: {  	s1 =	srdreg.scid  }
0x8b: {  	s0 =	sand.u32 $0x1, s1  }
0x8c: {  	s17 =	sshll.u32 s0, $0xA;
	s2 =	sadd.s32 s3, s2  }
0x8d: {  	s2 =	sadd.s32 s2, s17  }
0x8e: {  	[smem:$0x3FC6] =	sst s2  }
0x8f: {  	_ = 	snop  }
0x90: {  	s2 =	sld [smem:$0x3FD0];
	(tm) =	ssettm $0x1  }
0x91: {  	s18 =	sld [smem:$0x3FFB];
	_ =	sdelay $0x3  }
0x92: {  	_ =	strace s18  }
0x93: {  	s3 =	sld [smem:$0x3FFC];
	_ =	sdelay $0x3  }
0x94: {  	_ =	strace s3  }
0x95: {  	s3 =	sld [smem:$0x3FFD];
	_ =	sdelay $0x3  }
0x96: {  	_ =	strace s3  }
0x97: {  	_ =	strace $0x8FFFFFFF  }
0x98: {  	s19 =	sld [smem:$0x3FDB];
	_ =	sdelay $0x1  }
0x99: {  	s4 =	simm.s32 $_scs_section_size  }
0x9a: {  	s5 =	simm.s32 $_size__tile_overlayer_lowered;
	s6 =	simm.s32 $_tile_overlayer_lowered  }
0x9b: {  	s22 =	simm.s32 $0x1BFF;
	s21 =	sshll.u32 s6, $0x1;
	s3 =	sadd.s32 s4, s19  }
0x9c: {  	s7 =	simm.s32 $0x0;
	s20 =	sshll.u32 s5, $0x1;
	s5 =	sadd.s32 s21, s3  }
0x9d: {  	[timem:s7], [sflag:s22] =	dma.local [hbm:s5], s20  }
0x9e: {  	_ =	swait.ge [sflag:s22], s20  }
0x9f: {  	s4 =	ssub.s32 $0x0, s20;
	[sflag:s22] =	ssyncset.done $0x0  }
0xa0: {  	[sflag:s22] =	ssyncadd.s32 s4;
	_ =	sdelay $0x1  }
0xa1: {  	s23 =	simm.s32 $0x1B8B  }
0xa2: {  	_ =	swait.ge [sflag:s23], $0x1  }
0xa3: {  	[sflag:s23] =	ssyncset.done $0x0  }
0xa4: {  	s25 =	simm.s32 $0x1B8E;
	s24 =	sld [smem:$0x3FFE];
	[sflag:s23] =	ssyncadd.s32 $0xFFFFFFFF  }
0xa5: {  	s26 =	simm.s32 $execute0_lowered;
	[smem:$0x3FD2] =	sst s25  }
0xa6: {  	s5 =	sshll.u32 s26, $0x1;
	_ =	strace $0x80000046;
	[dreg:$0x1] =	wrdreg $0xFFFFFFFF  }
0xa7: {  	s28 =	simm.s32 $_size_execute0_lowered;
	s3 =	sadd.s32 s3, s5;
	[dreg:$0x0] =	wrdreg $0x0  }
0xa8: {  	s5 =	sshll.u32 s28, $0x1;
	[dreg:$0x2] =	wrdreg s3  }
0xa9: {  	[dreg:$0x3] =	wrdreg s5  }
0xaa: {  	[dreg:$0x4] =	wrdreg $0xC0  }
0xab: {  	_ =	task [dreg:s7], $0x5FFFF  }
0xac: {  	[dreg:$0x1] =	wrdreg $0xFFFFFFFF  }
0xad: {  	[dreg:$0x0] =	wrdreg $0x60  }
0xae: {  	[dreg:$0x2] =	wrdreg s2  }
0xaf: {  	[dreg:$0x3] =	wrdreg s24  }
0xb0: {  	[dreg:$0x4] =	wrdreg $0x9  }
0xb1: {  	_ =	task.clear_ibuf [dreg:s7], $0x5FFFF;
	_ =	strace $0x90000046  }
0xb2: {  	s29 =	simm.s32 $0x9;
	_ =	strace $0x80000048  }
0xb3: {  	_ =	swait.ge [sflag:s29], $0x1  }
0xb4: {  	[sflag:s29] =	ssyncadd.s32 $0xFFFFFFFF  }
0xb5: {  	_ =	strace $0x90000048  }
0xb6: {  	_ =	sfence  }
0xb7: {  	s30 =	sld [smem:$0x0];
	_ =	sdelay $0x2  }
0xb8: {  	s31 =	sshll.u32 s1, $0xD;
	s1 =	sshrl.u32 s1, $0x2  }
0xb9: {  	s3 =	sand.u32 $0x4000, s31;
	s1 =	sadd.s32 s1, s30  }
0xba: {  	s0 =	sor.u32 s3, s0;
	s1 =	sshll.u32 s1, $0x11  }
0xbb: {  	s0 =	sor.u32 s1, s0  }
0xbc: {  	s0 =	sadd.s32 $0x8F2B, s0  }
0xbd: {  	[sflag:s0] =	ssyncadd.remote.s32 $0x1  }
0xbe: {  	_ =	sfence.sel $0xFFFF  }
0xbf: {  	[dreg:$0x0] =	wrdreg $0xFFFFFFFF;
	(pc) =	sbr.abs _section_cstart, $3  }
0xc0: {  	[dreg:$0x1] =	wrdreg $0xFFFFFFFF  }
0xc1: {  	_ =	task.clear_ibuf [dreg:s7], $0x2FFFF;
	_ =	strace $0x9FFFFFFF  }
0xc2: {  	(tm) =	ssettm $0x7FFFFFFF  }
0xc3: {  	_ =	shalt  }
tec
execute0_lowered:
.L_overlay_start_1:
0x0: {  	(tag) =	ssettag $0x1  }
0x1: {  	s6 =	rddreg [dreg:$0x0]  }
0x2: {  	s5 =	rddreg [dreg:$0x1]  }
0x3: {  	s0 =	rddreg [dreg:$0x2]  }
0x4: {  	s3 =	srdreg.scid;
	s1 =	stileid.u32  }
0x5: {  	s2 =	simm.s32 $0x0;
	s11 =	simm.s32 $0x200;
	s12 =	simm.s32 $0x6400  }
0x6: {  	s13 =	simm.s32 $0xE400;
	s14 =	simm.s32 $0x1;
	s15 =	simm.s32 $0x40  }
0x7: {  	s16 =	simm.s32 $0x80;
	s17 =	simm.s32 $0x16400;
	s18 =	simm.s32 $0x2  }
0x8: {  	s19 =	simm.s32 $0x6;
	s3 =	sand.u32 $0x1, s3;
	s4 =	sshll.u32 s1, $0x1  }
0x9: {  	s20 =	simm.s32 $0x4;
	s21 =	simm.s32 $0x5;
	s7 =	sor.u32 s3, s4  }
0xa: {  	s22 =	simm.s32 $0x3;
	s8 =	ssub.s32 $0x2, s3;
	s3 =	smul.u32 $0x6400, s7  }
.Ltmp0:
0xb: {  	s23 =	simm.s32 $0x0;
	[smem:$0x7FF] =	sst s2;
	(pc) =	sbr.rel .LBB2_1-.Ltmp0, $4  }
0xc: {  	_ =	strace $0x80000047;
	s9 =	sshrl.u32 s8, $0x1;
	s10 =	smul.u32 $0x320000, s7  }
0xd: {  	s4 =	sadd.s32 $0xF42E00, s5;
	s5 =	sadd.s32 $0xA00, s5;
	s9 =	ssub.s32 s8, s9  }
0xe: {  	s31 =	sshrl.u32 s3, $0x3;
	s7 =	sor.u32 $0x10000, s10;
	s8 =	sadd.s32 $0x20000, s10  }
0xf: {  	s9 =	smax.u32 s9, $0x1;
	s10 =	simm.s32 $0x7;
	s6 =	sadd.s32 s6, s31  }
.LBB2_14:
0x10: {  	_ =	swait.ge [sflag:s19], $0x8000  }
0x11: {  	[sflag:s19] =	ssyncset.done $0x0  }
0x12: {  	s23 =	sadd.s32 $0x1, s23;
	[sflag:s19] =	ssyncadd.s32 $0xFFFF8000  }
0x13: {  	p0 =	sne.s32 s23, s9;
	_ =	swait.ge [sflag:s20], $0x8000  }
.Ltmp1:
0x14: {  	[sflag:s20] =	ssyncset.done $0x0;
	(pc) =	sbr.rel @!p0 .LBB2_15-.Ltmp1, $4  }
0x15: {  	[sflag:s20] =	ssyncadd.s32 $0xFFFF8000  }
0x16: {  	_ =	swait.ge [sflag:s21], $0x8000  }
0x17: {  	[sflag:s21] =	ssyncset.done $0x0  }
0x18: {  	[sflag:s21] =	ssyncadd.s32 $0xFFFF8000  }
.LBB2_1:
0x19: {  	[tilespmem:s2], [sflag:$0x7] =	stream.linear.gather [hbm4b:s6+s2], $0x6400, $0x38;
	[tilespmem:$0x1E400] =	vst v63  }
0x1a: {  	_ =	swait.ge [sflag:s10], $0x6400  }
0x1b: {  	[sflag:s10] =	ssyncset.done $0x0  }
0x1c: {  	s24 =	simm.s32 $0x0;
	[sflag:s10] =	ssyncadd.s32 $0xFFFF9C00  }
0x1d: {  	[tilespmem:s12], [sflag:$0x1] =	stream.indirect.gather [hbm4b:s4+s11], $0x40, s2, s11, $0xb8;
	[tilespmem:$0x1E400] =	vst v63  }
.LBB2_2:
0x1e: {  	p0 =	seq.s32 s24, $0x0  }
0x1f: {  	s25 =	smul.u32 $0x1800, s24;
	s26 =	simm.s32 @!p0 $0x5  }
0x20: {  	_ =	swait.ge @!p0 [sflag:s26], $0x8000  }
0x21: {  	s25 =	sshra.s32 s25, $0x2;
	[sflag:s26] =	ssyncset.done @!p0 $0x0  }
0x22: {  	s31 =	sadd.s32 $0x200, s25;
	[sflag:s26] =	ssyncadd.s32 @!p0 $0xFFFF8000  }
0x23: {  	[tilespmem:s13], [sflag:$0x2] =	stream.indirect.gather [hbm4b:s4+s11], $0x40, s31, s11, $0xb8;
	[tilespmem:$0x1E400] =	vst v63  }
0x24: {  	_ =	swait.ge [sflag:s14], $0x8000  }
0x25: {  	[sflag:s14] =	ssyncset.done $0x0  }
0x26: {  	s26 =	simm.s32 $0x6500;
	[sflag:s14] =	ssyncadd.s32 $0xFFFF8000  }
0x27: {  	v0 =	vld [tilespmem:s26+$0xFFFFFF00]  }
0x28: {  	v1 =	vld [tilespmem:s26+$0xFFFFFF10]  }
0x29: {  	v2 =	vld [tilespmem:s26+$0xFFFFFF20]  }
0x2a: {  	v3 =	vld [tilespmem:s26+$0xFFFFFF30]  }
0x2b: {  	v4 =	vld [tilespmem:s26+$0xFFFFFF40]  }
0x2c: {  	v5 =	vld [tilespmem:s26+$0xFFFFFF50];
	v0 =	vmul.f32 $8.000000000e+00, v0  }
0x2d: {  	v6 =	vld [tilespmem:s26+$0xFFFFFF60];
	v1 =	vmul.f32 $8.000000000e+00, v1  }
0x2e: {  	[tilespmem:s26+$0xFFFFFF00] =	vst v0;
	v0 =	vmul.f32 $8.000000000e+00, v2;
	v2 =	vld [tilespmem:s26+$0xFFFFFF70]  }
0x2f: {  	[tilespmem:s26+$0xFFFFFF10] =	vst v1;
	v1 =	vmul.f32 $8.000000000e+00, v3;
	v3 =	vld [tilespmem:s26+$0xFFFFFF80]  }
0x30: {  	[tilespmem:s26+$0xFFFFFF20] =	vst v0;
	v0 =	vmul.f32 $8.000000000e+00, v4;
	v4 =	vld [tilespmem:s26+$0xFFFFFF90]  }
0x31: {  	[tilespmem:s26+$0xFFFFFF30] =	vst v1;
	v1 =	vmul.f32 $8.000000000e+00, v5;
	v5 =	vld [tilespmem:s26+$0xFFFFFFA0]  }
0x32: {  	[tilespmem:s26+$0xFFFFFF40] =	vst v0;
	v0 =	vmul.f32 $8.000000000e+00, v6;
	v6 =	vld [tilespmem:s26+$0xFFFFFFB0]  }
0x33: {  	[tilespmem:s26+$0xFFFFFF50] =	vst v1;
	v1 =	vmul.f32 $8.000000000e+00, v2;
	v2 =	vld [tilespmem:s26+$0xFFFFFFC0]  }
0x34: {  	[tilespmem:s26+$0xFFFFFF60] =	vst v0;
	v0 =	vmul.f32 $8.000000000e+00, v3;
	v3 =	vld [tilespmem:s26+$0xFFFFFFD0]  }
0x35: {  	[tilespmem:s26+$0xFFFFFF70] =	vst v1;
	v1 =	vmul.f32 $8.000000000e+00, v4;
	v4 =	vld [tilespmem:s26+$0xFFFFFFE0]  }
0x36: {  	[tilespmem:s26+$0xFFFFFF80] =	vst v0;
	v0 =	vmul.f32 $8.000000000e+00, v5;
	v5 =	vld [tilespmem:s26+$0x0]  }
0x37: {  	[tilespmem:s26+$0xFFFFFF90] =	vst v1;
	v1 =	vmul.f32 $8.000000000e+00, v6;
	v6 =	vld [tilespmem:s26+$0x10]  }
0x38: {  	[tilespmem:s26+$0xFFFFFFA0] =	vst v0;
	v0 =	vmul.f32 $8.000000000e+00, v2;
	v2 =	vld [tilespmem:s26+$0x20]  }
0x39: {  	[tilespmem:s26+$0xFFFFFFB0] =	vst v1;
	v1 =	vmul.f32 $8.000000000e+00, v3;
	v3 =	vld [tilespmem:s26+$0x30]  }
0x3a: {  	[tilespmem:s26+$0xFFFFFFC0] =	vst v0;
	v0 =	vmul.f32 $8.000000000e+00, v4;
	v4 =	vld [tilespmem:s26+$0x40]  }
0x3b: {  	[tilespmem:s26+$0xFFFFFFD0] =	vst v1;
	v1 =	vmul.f32 $8.000000000e+00, v5;
	v5 =	vld [tilespmem:s26+$0x50]  }
0x3c: {  	[tilespmem:s26+$0xFFFFFFE0] =	vst v0;
	v0 =	vmul.f32 $8.000000000e+00, v6;
	v6 =	vld [tilespmem:s26+$0x60]  }
0x3d: {  	[tilespmem:s26+$0x0] =	vst v1;
	v1 =	vmul.f32 $8.000000000e+00, v2;
	v2 =	vld [tilespmem:s26+$0x70]  }
0x3e: {  	[tilespmem:s26+$0x10] =	vst v0;
	v0 =	vmul.f32 $8.000000000e+00, v3;
	v3 =	vld [tilespmem:s26+$0x80]  }
0x3f: {  	[tilespmem:s26+$0x20] =	vst v1;
	v1 =	vmul.f32 $8.000000000e+00, v4;
	v4 =	vld [tilespmem:s26+$0x90]  }
0x40: {  	[tilespmem:s26+$0x30] =	vst v0;
	v0 =	vmul.f32 $8.000000000e+00, v5;
	v5 =	vld [tilespmem:s26+$0xA0]  }
0x41: {  	[tilespmem:s26+$0x40] =	vst v1;
	v1 =	vmul.f32 $8.000000000e+00, v6;
	v6 =	vld [tilespmem:s26+$0xB0]  }
0x42: {  	[tilespmem:s26+$0x50] =	vst v0;
	v2 =	vmul.f32 $8.000000000e+00, v2;
	v0 =	vld [tilespmem:s26+$0xC0]  }
0x43: {  	[tilespmem:s26+$0x60] =	vst v1;
	v7 =	vmul.f32 $8.000000000e+00, v3;
	v1 =	vld [tilespmem:s26+$0xD0]  }
0x44: {  	v3 =	vld [tilespmem:s26+$0xE0];
	[tilespmem:s26+$0x70] =	vst v2;
	v8 =	vmul.f32 $8.000000000e+00, v4  }
0x45: {  	v2 =	vld [tilespmem:s26+$0xF0];
	[tilespmem:s26+$0x80] =	vst v7;
	v5 =	vmul.f32 $8.000000000e+00, v5  }
0x46: {  	s28 =	simm.s32 $0x0;
	s29 =	simm.s32 $0x6700;
	v4 =	vld [tilespmem:s26+$0xFFFFFFF0];
	[tilespmem:s26+$0x90] =	vst v8;
	v6 =	vmul.f32 $8.000000000e+00, v6  }
.LBB2_3:
0x47: {  	v7 =	vld [tilespmem:s29+$0xFFFFFF00];
	[tilespmem:s26+$0xA0] =	vst v5;
	v0 =	vmul.f32 $8.000000000e+00, v0  }
0x48: {  	v5 =	vld [tilespmem:s29+$0xFFFFFF10];
	[tilespmem:s26+$0xB0] =	vst v6;
	v1 =	vmul.f32 $8.000000000e+00, v1  }
0x49: {  	v6 =	vld [tilespmem:s29+$0xFFFFFF20];
	[tilespmem:s26+$0xC0] =	vst v0;
	v0 =	vmul.f32 $8.000000000e+00, v3  }
0x4a: {  	v3 =	vld [tilespmem:s29+$0xFFFFFF30];
	[tilespmem:s26+$0xD0] =	vst v1;
	v1 =	vmul.f32 $8.000000000e+00, v2  }
0x4b: {  	v2 =	vld [tilespmem:s29+$0xFFFFFF40];
	v4 =	vmul.f32 $8.000000000e+00, v4;
	[tilespmem:s26+$0xE0] =	vst v0  }
0x4c: {  	v0 =	vmul.f32 $8.000000000e+00, v7;
	v7 =	vld [tilespmem:s29+$0xFFFFFF50];
	[tilespmem:s26+$0xF0] =	vst v1  }
0x4d: {  	v1 =	vmul.f32 $8.000000000e+00, v5;
	v5 =	vld [tilespmem:s29+$0xFFFFFF60];
	[tilespmem:s26+$0xFFFFFFF0] =	vst v4;
	s26 =	smov.u32 s29  }
0x4e: {  	[tilespmem:s29+$0xFFFFFF00] =	vst v0;
	v0 =	vmul.f32 $8.000000000e+00, v6;
	v4 =	vld [tilespmem:s29+$0xFFFFFF70]  }
0x4f: {  	[tilespmem:s29+$0xFFFFFF10] =	vst v1;
	v1 =	vmul.f32 $8.000000000e+00, v3;
	v3 =	vld [tilespmem:s29+$0xFFFFFF80]  }
0x50: {  	[tilespmem:s29+$0xFFFFFF20] =	vst v0;
	v0 =	vmul.f32 $8.000000000e+00, v2;
	v2 =	vld [tilespmem:s29+$0xFFFFFF90]  }
0x51: {  	[tilespmem:s29+$0xFFFFFF30] =	vst v1;
	v1 =	vmul.f32 $8.000000000e+00, v7;
	v6 =	vld [tilespmem:s29+$0xFFFFFFA0]  }
0x52: {  	[tilespmem:s29+$0xFFFFFF40] =	vst v0;
	v0 =	vmul.f32 $8.000000000e+00, v5;
	v5 =	vld [tilespmem:s29+$0xFFFFFFB0]  }
0x53: {  	[tilespmem:s29+$0xFFFFFF50] =	vst v1;
	v1 =	vmul.f32 $8.000000000e+00, v4;
	v4 =	vld [tilespmem:s29+$0xFFFFFFC0]  }
0x54: {  	[tilespmem:s29+$0xFFFFFF60] =	vst v0;
	v0 =	vmul.f32 $8.000000000e+00, v3;
	v3 =	vld [tilespmem:s29+$0xFFFFFFD0]  }
0x55: {  	[tilespmem:s29+$0xFFFFFF70] =	vst v1;
	v1 =	vmul.f32 $8.000000000e+00, v2;
	v2 =	vld [tilespmem:s29+$0xFFFFFFE0]  }
0x56: {  	[tilespmem:s29+$0xFFFFFF80] =	vst v0;
	v0 =	vmul.f32 $8.000000000e+00, v6;
	v6 =	vld [tilespmem:s29+$0x0]  }
0x57: {  	[tilespmem:s29+$0xFFFFFF90] =	vst v1;
	v1 =	vmul.f32 $8.000000000e+00, v5;
	v5 =	vld [tilespmem:s29+$0x10]  }
0x58: {  	[tilespmem:s29+$0xFFFFFFA0] =	vst v0;
	v0 =	vmul.f32 $8.000000000e+00, v4;
	v4 =	vld [tilespmem:s29+$0x20]  }
0x59: {  	[tilespmem:s29+$0xFFFFFFB0] =	vst v1;
	v1 =	vmul.f32 $8.000000000e+00, v3;
	v3 =	vld [tilespmem:s29+$0x30]  }
0x5a: {  	[tilespmem:s29+$0xFFFFFFC0] =	vst v0;
	v0 =	vmul.f32 $8.000000000e+00, v2;
	v2 =	vld [tilespmem:s29+$0x40]  }
0x5b: {  	[tilespmem:s29+$0xFFFFFFD0] =	vst v1;
	v1 =	vmul.f32 $8.000000000e+00, v6;
	v6 =	vld [tilespmem:s29+$0x50]  }
0x5c: {  	[tilespmem:s29+$0xFFFFFFE0] =	vst v0;
	v0 =	vmul.f32 $8.000000000e+00, v5;
	v5 =	vld [tilespmem:s29+$0x60]  }
0x5d: {  	[tilespmem:s29+$0x0] =	vst v1;
	v1 =	vmul.f32 $8.000000000e+00, v4;
	v4 =	vld [tilespmem:s29+$0x70]  }
0x5e: {  	[tilespmem:s29+$0x10] =	vst v0;
	v0 =	vmul.f32 $8.000000000e+00, v3;
	v3 =	vld [tilespmem:s29+$0x80]  }
0x5f: {  	[tilespmem:s29+$0x20] =	vst v1;
	v1 =	vmul.f32 $8.000000000e+00, v2;
	v2 =	vld [tilespmem:s29+$0x90]  }
0x60: {  	s28 =	sadd.s32 $0x8, s28;
	[tilespmem:s29+$0x30] =	vst v0;
	v0 =	vmul.f32 $8.000000000e+00, v6;
	v6 =	vld [tilespmem:s29+$0xA0]  }
0x61: {  	p1 =	slt.u32 s28, $0x1F8;
	[tilespmem:s29+$0x40] =	vst v1;
	v1 =	vmul.f32 $8.000000000e+00, v5;
	v7 =	vld [tilespmem:s29+$0xB0]  }
.Ltmp2:
0x62: {  	[tilespmem:s29+$0x50] =	vst v0;
	v4 =	vmul.f32 $8.000000000e+00, v4;
	v0 =	vld [tilespmem:s29+$0xC0];
	(pc) =	sbr.rel @p1 .LBB2_3-.Ltmp2, $4  }
0x63: {  	[tilespmem:s29+$0x60] =	vst v1;
	v5 =	vmul.f32 $8.000000000e+00, v3;
	v1 =	vld [tilespmem:s29+$0xD0]  }
0x64: {  	[tilespmem:s29+$0x70] =	vst v4;
	v8 =	vmul.f32 $8.000000000e+00, v2;
	v3 =	vld [tilespmem:s29+$0xE0]  }
0x65: {  	[tilespmem:s29+$0x80] =	vst v5;
	v5 =	vmul.f32 $8.000000000e+00, v6;
	v2 =	vld [tilespmem:s29+$0xF0]  }
0x66: {  	s29 =	sadd.s32 $0x200, s29;
	v4 =	vld [tilespmem:s26+$0xFFFFFFF0];
	[tilespmem:s26+$0x90] =	vst v8;
	v6 =	vmul.f32 $8.000000000e+00, v7  }
0x67: {  	[tilespmem:s26+$0xA0] =	vst v5;
	v0 =	vmul.f32 $8.000000000e+00, v0  }
0x68: {  	[tilespmem:s26+$0xB0] =	vst v6;
	v1 =	vmul.f32 $8.000000000e+00, v1  }
0x69: {  	s28 =	smul.u32 $0x600, s24;
	[tilespmem:s26+$0xC0] =	vst v0;
	v61 =	vmul.f32 $8.000000000e+00, v3  }
.Ltmp3:
0x6a: {  	[tilespmem:s26+$0xD0] =	vst v1;
	v62 =	vmul.f32 $8.000000000e+00, v2;
	(pc) =	sbr.rel @p0 .LBB2_7-.Ltmp3, $4  }
0x6b: {  	s28 =	sadd.s32 s3, s28;
	v63 =	vmul.f32 $8.000000000e+00, v4;
	[tilespmem:s26+$0xE0] =	vst v61  }
0x6c: {  	s28 =	sshll.u32 s28, $0x4;
	[tilespmem:s26+$0xF0] =	vst v62  }
0x6d: {  	s31 =	sadd.s32 s5, s28;
	[tilespmem:s26+$0xFFFFFFF0] =	vst v63  }
0x6e: {  	[hbm4b:s31+s15] =	stream.strided.scatter [tilespmem:s12], [sflag:$0x4], $0x8000, s16, s15, $0x38;
	[tilespmem:$0x1E400] =	vst v63  }
0x6f: {  	p0 =	seq.s32 s24, $0x10  }
.Ltmp4:
0x70: {  	_ = 	snop;
	(pc) =	sbr.rel @p0 .LBB2_8-.Ltmp4, $1  }
0x71: {  	_ =	sdelay $0x3  }
0x72: {  	_ =	swait.ge [sflag:s19], $0x8000  }
0x73: {  	[sflag:s19] =	ssyncset.done $0x0  }
0x74: {  	[sflag:s19] =	ssyncadd.s32 $0xFFFF8000  }
.LBB2_7:
0x75: {  	s26 =	sadd.s32 $0x400, s25  }
0x76: {  	[tilespmem:s17], [sflag:$0x3] =	stream.indirect.gather [hbm4b:s4+s11], $0x40, s26, s11, $0xb8;
	[tilespmem:$0x1E400] =	vst v63  }
.LBB2_8:
0x77: {  	_ =	swait.ge [sflag:s18], $0x8000  }
0x78: {  	[sflag:s18] =	ssyncset.done $0x0  }
0x79: {  	s28 =	simm.s32 $0xE500;
	[sflag:s18] =	ssyncadd.s32 $0xFFFF8000  }
0x7a: {  	v0 =	vld [tilespmem:s28+$0xFFFFFF00]  }
0x7b: {  	v1 =	vld [tilespmem:s28+$0xFFFFFF10]  }
0x7c: {  	v2 =	vld [tilespmem:s28+$0xFFFFFF20]  }
0x7d: {  	v3 =	vld [tilespmem:s28+$0xFFFFFF30]  }
0x7e: {  	v4 =	vld [tilespmem:s28+$0xFFFFFF40]  }
0x7f: {  	v5 =	vld [tilespmem:s28+$0xFFFFFF50];
	v0 =	vmul.f32 $8.000000000e+00, v0  }
0x80: {  	v6 =	vld [tilespmem:s28+$0xFFFFFF60];
	v1 =	vmul.f32 $8.000000000e+00, v1  }
0x81: {  	[tilespmem:s28+$0xFFFFFF00] =	vst v0;
	v0 =	vmul.f32 $8.000000000e+00, v2;
	v2 =	vld [tilespmem:s28+$0xFFFFFF70]  }
0x82: {  	[tilespmem:s28+$0xFFFFFF10] =	vst v1;
	v1 =	vmul.f32 $8.000000000e+00, v3;
	v3 =	vld [tilespmem:s28+$0xFFFFFF80]  }
0x83: {  	[tilespmem:s28+$0xFFFFFF20] =	vst v0;
	v0 =	vmul.f32 $8.000000000e+00, v4;
	v4 =	vld [tilespmem:s28+$0xFFFFFF90]  }
0x84: {  	[tilespmem:s28+$0xFFFFFF30] =	vst v1;
	v1 =	vmul.f32 $8.000000000e+00, v5;
	v5 =	vld [tilespmem:s28+$0xFFFFFFA0]  }
0x85: {  	[tilespmem:s28+$0xFFFFFF40] =	vst v0;
	v0 =	vmul.f32 $8.000000000e+00, v6;
	v6 =	vld [tilespmem:s28+$0xFFFFFFB0]  }
0x86: {  	[tilespmem:s28+$0xFFFFFF50] =	vst v1;
	v1 =	vmul.f32 $8.000000000e+00, v2;
	v2 =	vld [tilespmem:s28+$0xFFFFFFC0]  }
0x87: {  	[tilespmem:s28+$0xFFFFFF60] =	vst v0;
	v0 =	vmul.f32 $8.000000000e+00, v3;
	v3 =	vld [tilespmem:s28+$0xFFFFFFD0]  }
0x88: {  	[tilespmem:s28+$0xFFFFFF70] =	vst v1;
	v1 =	vmul.f32 $8.000000000e+00, v4;
	v4 =	vld [tilespmem:s28+$0xFFFFFFE0]  }
0x89: {  	[tilespmem:s28+$0xFFFFFF80] =	vst v0;
	v0 =	vmul.f32 $8.000000000e+00, v5;
	v5 =	vld [tilespmem:s28+$0x0]  }
0x8a: {  	[tilespmem:s28+$0xFFFFFF90] =	vst v1;
	v1 =	vmul.f32 $8.000000000e+00, v6;
	v6 =	vld [tilespmem:s28+$0x10]  }
0x8b: {  	[tilespmem:s28+$0xFFFFFFA0] =	vst v0;
	v0 =	vmul.f32 $8.000000000e+00, v2;
	v2 =	vld [tilespmem:s28+$0x20]  }
0x8c: {  	[tilespmem:s28+$0xFFFFFFB0] =	vst v1;
	v1 =	vmul.f32 $8.000000000e+00, v3;
	v3 =	vld [tilespmem:s28+$0x30]  }
0x8d: {  	[tilespmem:s28+$0xFFFFFFC0] =	vst v0;
	v0 =	vmul.f32 $8.000000000e+00, v4;
	v4 =	vld [tilespmem:s28+$0x40]  }
0x8e: {  	[tilespmem:s28+$0xFFFFFFD0] =	vst v1;
	v1 =	vmul.f32 $8.000000000e+00, v5;
	v5 =	vld [tilespmem:s28+$0x50]  }
0x8f: {  	[tilespmem:s28+$0xFFFFFFE0] =	vst v0;
	v0 =	vmul.f32 $8.000000000e+00, v6;
	v6 =	vld [tilespmem:s28+$0x60]  }
0x90: {  	[tilespmem:s28+$0x0] =	vst v1;
	v1 =	vmul.f32 $8.000000000e+00, v2;
	v2 =	vld [tilespmem:s28+$0x70]  }
0x91: {  	[tilespmem:s28+$0x10] =	vst v0;
	v0 =	vmul.f32 $8.000000000e+00, v3;
	v3 =	vld [tilespmem:s28+$0x80]  }
0x92: {  	[tilespmem:s28+$0x20] =	vst v1;
	v1 =	vmul.f32 $8.000000000e+00, v4;
	v4 =	vld [tilespmem:s28+$0x90]  }
0x93: {  	[tilespmem:s28+$0x30] =	vst v0;
	v0 =	vmul.f32 $8.000000000e+00, v5;
	v5 =	vld [tilespmem:s28+$0xA0]  }
0x94: {  	[tilespmem:s28+$0x40] =	vst v1;
	v1 =	vmul.f32 $8.000000000e+00, v6;
	v6 =	vld [tilespmem:s28+$0xB0]  }
0x95: {  	[tilespmem:s28+$0x50] =	vst v0;
	v2 =	vmul.f32 $8.000000000e+00, v2;
	v0 =	vld [tilespmem:s28+$0xC0]  }
0x96: {  	[tilespmem:s28+$0x60] =	vst v1;
	v7 =	vmul.f32 $8.000000000e+00, v3;
	v1 =	vld [tilespmem:s28+$0xD0]  }
0x97: {  	v3 =	vld [tilespmem:s28+$0xE0];
	[tilespmem:s28+$0x70] =	vst v2;
	v8 =	vmul.f32 $8.000000000e+00, v4  }
0x98: {  	v2 =	vld [tilespmem:s28+$0xF0];
	[tilespmem:s28+$0x80] =	vst v7;
	v5 =	vmul.f32 $8.000000000e+00, v5  }
0x99: {  	s26 =	simm.s32 $0x0;
	s29 =	simm.s32 $0xE700;
	v4 =	vld [tilespmem:s28+$0xFFFFFFF0];
	[tilespmem:s28+$0x90] =	vst v8;
	v6 =	vmul.f32 $8.000000000e+00, v6  }
.LBB2_9:
0x9a: {  	v7 =	vld [tilespmem:s29+$0xFFFFFF00];
	[tilespmem:s28+$0xA0] =	vst v5;
	v0 =	vmul.f32 $8.000000000e+00, v0  }
0x9b: {  	v5 =	vld [tilespmem:s29+$0xFFFFFF10];
	[tilespmem:s28+$0xB0] =	vst v6;
	v1 =	vmul.f32 $8.000000000e+00, v1  }
0x9c: {  	v6 =	vld [tilespmem:s29+$0xFFFFFF20];
	[tilespmem:s28+$0xC0] =	vst v0;
	v0 =	vmul.f32 $8.000000000e+00, v3  }
0x9d: {  	v3 =	vld [tilespmem:s29+$0xFFFFFF30];
	[tilespmem:s28+$0xD0] =	vst v1;
	v1 =	vmul.f32 $8.000000000e+00, v2  }
0x9e: {  	v2 =	vld [tilespmem:s29+$0xFFFFFF40];
	v4 =	vmul.f32 $8.000000000e+00, v4;
	[tilespmem:s28+$0xE0] =	vst v0  }
0x9f: {  	v0 =	vmul.f32 $8.000000000e+00, v7;
	v7 =	vld [tilespmem:s29+$0xFFFFFF50];
	[tilespmem:s28+$0xF0] =	vst v1  }
0xa0: {  	v1 =	vmul.f32 $8.000000000e+00, v5;
	v5 =	vld [tilespmem:s29+$0xFFFFFF60];
	[tilespmem:s28+$0xFFFFFFF0] =	vst v4;
	s28 =	smov.u32 s29  }
0xa1: {  	[tilespmem:s29+$0xFFFFFF00] =	vst v0;
	v0 =	vmul.f32 $8.000000000e+00, v6;
	v4 =	vld [tilespmem:s29+$0xFFFFFF70]  }
0xa2: {  	[tilespmem:s29+$0xFFFFFF10] =	vst v1;
	v1 =	vmul.f32 $8.000000000e+00, v3;
	v3 =	vld [tilespmem:s29+$0xFFFFFF80]  }
0xa3: {  	[tilespmem:s29+$0xFFFFFF20] =	vst v0;
	v0 =	vmul.f32 $8.000000000e+00, v2;
	v2 =	vld [tilespmem:s29+$0xFFFFFF90]  }
0xa4: {  	[tilespmem:s29+$0xFFFFFF30] =	vst v1;
	v1 =	vmul.f32 $8.000000000e+00, v7;
	v6 =	vld [tilespmem:s29+$0xFFFFFFA0]  }
0xa5: {  	[tilespmem:s29+$0xFFFFFF40] =	vst v0;
	v0 =	vmul.f32 $8.000000000e+00, v5;
	v5 =	vld [tilespmem:s29+$0xFFFFFFB0]  }
0xa6: {  	[tilespmem:s29+$0xFFFFFF50] =	vst v1;
	v1 =	vmul.f32 $8.000000000e+00, v4;
	v4 =	vld [tilespmem:s29+$0xFFFFFFC0]  }
0xa7: {  	[tilespmem:s29+$0xFFFFFF60] =	vst v0;
	v0 =	vmul.f32 $8.000000000e+00, v3;
	v3 =	vld [tilespmem:s29+$0xFFFFFFD0]  }
0xa8: {  	[tilespmem:s29+$0xFFFFFF70] =	vst v1;
	v1 =	vmul.f32 $8.000000000e+00, v2;
	v2 =	vld [tilespmem:s29+$0xFFFFFFE0]  }
0xa9: {  	[tilespmem:s29+$0xFFFFFF80] =	vst v0;
	v0 =	vmul.f32 $8.000000000e+00, v6;
	v6 =	vld [tilespmem:s29+$0x0]  }
0xaa: {  	[tilespmem:s29+$0xFFFFFF90] =	vst v1;
	v1 =	vmul.f32 $8.000000000e+00, v5;
	v5 =	vld [tilespmem:s29+$0x10]  }
0xab: {  	[tilespmem:s29+$0xFFFFFFA0] =	vst v0;
	v0 =	vmul.f32 $8.000000000e+00, v4;
	v4 =	vld [tilespmem:s29+$0x20]  }
0xac: {  	[tilespmem:s29+$0xFFFFFFB0] =	vst v1;
	v1 =	vmul.f32 $8.000000000e+00, v3;
	v3 =	vld [tilespmem:s29+$0x30]  }
0xad: {  	[tilespmem:s29+$0xFFFFFFC0] =	vst v0;
	v0 =	vmul.f32 $8.000000000e+00, v2;
	v2 =	vld [tilespmem:s29+$0x40]  }
0xae: {  	[tilespmem:s29+$0xFFFFFFD0] =	vst v1;
	v1 =	vmul.f32 $8.000000000e+00, v6;
	v6 =	vld [tilespmem:s29+$0x50]  }
0xaf: {  	[tilespmem:s29+$0xFFFFFFE0] =	vst v0;
	v0 =	vmul.f32 $8.000000000e+00, v5;
	v5 =	vld [tilespmem:s29+$0x60]  }
0xb0: {  	[tilespmem:s29+$0x0] =	vst v1;
	v1 =	vmul.f32 $8.000000000e+00, v4;
	v4 =	vld [tilespmem:s29+$0x70]  }
0xb1: {  	[tilespmem:s29+$0x10] =	vst v0;
	v0 =	vmul.f32 $8.000000000e+00, v3;
	v3 =	vld [tilespmem:s29+$0x80]  }
0xb2: {  	[tilespmem:s29+$0x20] =	vst v1;
	v1 =	vmul.f32 $8.000000000e+00, v2;
	v2 =	vld [tilespmem:s29+$0x90]  }
0xb3: {  	s26 =	sadd.s32 $0x8, s26;
	[tilespmem:s29+$0x30] =	vst v0;
	v0 =	vmul.f32 $8.000000000e+00, v6;
	v6 =	vld [tilespmem:s29+$0xA0]  }
0xb4: {  	p0 =	slt.u32 s26, $0x1F8;
	[tilespmem:s29+$0x40] =	vst v1;
	v1 =	vmul.f32 $8.000000000e+00, v5;
	v7 =	vld [tilespmem:s29+$0xB0]  }
.Ltmp5:
0xb5: {  	[tilespmem:s29+$0x50] =	vst v0;
	v4 =	vmul.f32 $8.000000000e+00, v4;
	v0 =	vld [tilespmem:s29+$0xC0];
	(pc) =	sbr.rel @p0 .LBB2_9-.Ltmp5, $4  }
0xb6: {  	[tilespmem:s29+$0x60] =	vst v1;
	v5 =	vmul.f32 $8.000000000e+00, v3;
	v1 =	vld [tilespmem:s29+$0xD0]  }
0xb7: {  	[tilespmem:s29+$0x70] =	vst v4;
	v8 =	vmul.f32 $8.000000000e+00, v2;
	v3 =	vld [tilespmem:s29+$0xE0]  }
0xb8: {  	[tilespmem:s29+$0x80] =	vst v5;
	v5 =	vmul.f32 $8.000000000e+00, v6;
	v2 =	vld [tilespmem:s29+$0xF0]  }
0xb9: {  	s29 =	sadd.s32 $0x200, s29;
	v4 =	vld [tilespmem:s28+$0xFFFFFFF0];
	[tilespmem:s28+$0x90] =	vst v8;
	v6 =	vmul.f32 $8.000000000e+00, v7  }
0xba: {  	[tilespmem:s28+$0xA0] =	vst v5;
	v0 =	vmul.f32 $8.000000000e+00, v0  }
0xbb: {  	[tilespmem:s28+$0xB0] =	vst v6;
	v1 =	vmul.f32 $8.000000000e+00, v1  }
0xbc: {  	s26 =	smul.u32 $0x30000, s24;
	p0 =	seq.s32 s24, $0x10;
	[tilespmem:s28+$0xC0] =	vst v0;
	v61 =	vmul.f32 $8.000000000e+00, v3  }
.Ltmp6:
0xbd: {  	[tilespmem:s28+$0xD0] =	vst v1;
	v62 =	vmul.f32 $8.000000000e+00, v2;
	(pc) =	sbr.rel @p0 .LBB2_14-.Ltmp6, $4  }
0xbe: {  	s29 =	sadd.s32 s7, s26;
	v63 =	vmul.f32 $8.000000000e+00, v4;
	[tilespmem:s28+$0xE0] =	vst v61  }
0xbf: {  	s29 =	sshrl.u32 s29, $0x3;
	[tilespmem:s28+$0xF0] =	vst v62  }
0xc0: {  	s31 =	sadd.s32 s5, s29;
	[tilespmem:s28+$0xFFFFFFF0] =	vst v63  }
0xc1: {  	[hbm4b:s31+s15] =	stream.strided.scatter [tilespmem:s13], [sflag:$0x5], $0x8000, s16, s15, $0x38;
	[tilespmem:$0x1E400] =	vst v63  }
0xc2: {  	_ =	swait.ge [sflag:s20], $0x8000  }
0xc3: {  	[sflag:s20] =	ssyncset.done $0x0  }
0xc4: {  	s25 =	sadd.s32 $0x600, s25;
	[sflag:s20] =	ssyncadd.s32 $0xFFFF8000  }
0xc5: {  	[tilespmem:s12], [sflag:$0x1] =	stream.indirect.gather [hbm4b:s4+s11], $0x40, s25, s11, $0xb8;
	[tilespmem:$0x1E400] =	vst v63  }
0xc6: {  	_ =	swait.ge [sflag:s22], $0x8000  }
0xc7: {  	[sflag:s22] =	ssyncset.done $0x0  }
0xc8: {  	s25 =	simm.s32 $0x16500;
	[sflag:s22] =	ssyncadd.s32 $0xFFFF8000  }
0xc9: {  	v0 =	vld [tilespmem:s25+$0xFFFFFF00]  }
0xca: {  	v1 =	vld [tilespmem:s25+$0xFFFFFF10]  }
0xcb: {  	v2 =	vld [tilespmem:s25+$0xFFFFFF20]  }
0xcc: {  	v3 =	vld [tilespmem:s25+$0xFFFFFF30]  }
0xcd: {  	v4 =	vld [tilespmem:s25+$0xFFFFFF40]  }
0xce: {  	v5 =	vld [tilespmem:s25+$0xFFFFFF50];
	v0 =	vmul.f32 $8.000000000e+00, v0  }
0xcf: {  	v6 =	vld [tilespmem:s25+$0xFFFFFF60];
	v1 =	vmul.f32 $8.000000000e+00, v1  }
0xd0: {  	[tilespmem:s25+$0xFFFFFF00] =	vst v0;
	v0 =	vmul.f32 $8.000000000e+00, v2;
	v2 =	vld [tilespmem:s25+$0xFFFFFF70]  }
0xd1: {  	[tilespmem:s25+$0xFFFFFF10] =	vst v1;
	v1 =	vmul.f32 $8.000000000e+00, v3;
	v3 =	vld [tilespmem:s25+$0xFFFFFF80]  }
0xd2: {  	[tilespmem:s25+$0xFFFFFF20] =	vst v0;
	v0 =	vmul.f32 $8.000000000e+00, v4;
	v4 =	vld [tilespmem:s25+$0xFFFFFF90]  }
0xd3: {  	[tilespmem:s25+$0xFFFFFF30] =	vst v1;
	v1 =	vmul.f32 $8.000000000e+00, v5;
	v5 =	vld [tilespmem:s25+$0xFFFFFFA0]  }
0xd4: {  	[tilespmem:s25+$0xFFFFFF40] =	vst v0;
	v0 =	vmul.f32 $8.000000000e+00, v6;
	v6 =	vld [tilespmem:s25+$0xFFFFFFB0]  }
0xd5: {  	[tilespmem:s25+$0xFFFFFF50] =	vst v1;
	v1 =	vmul.f32 $8.000000000e+00, v2;
	v2 =	vld [tilespmem:s25+$0xFFFFFFC0]  }
0xd6: {  	[tilespmem:s25+$0xFFFFFF60] =	vst v0;
	v0 =	vmul.f32 $8.000000000e+00, v3;
	v3 =	vld [tilespmem:s25+$0xFFFFFFD0]  }
0xd7: {  	[tilespmem:s25+$0xFFFFFF70] =	vst v1;
	v1 =	vmul.f32 $8.000000000e+00, v4;
	v4 =	vld [tilespmem:s25+$0xFFFFFFE0]  }
0xd8: {  	[tilespmem:s25+$0xFFFFFF80] =	vst v0;
	v0 =	vmul.f32 $8.000000000e+00, v5;
	v5 =	vld [tilespmem:s25+$0x0]  }
0xd9: {  	[tilespmem:s25+$0xFFFFFF90] =	vst v1;
	v1 =	vmul.f32 $8.000000000e+00, v6;
	v6 =	vld [tilespmem:s25+$0x10]  }
0xda: {  	[tilespmem:s25+$0xFFFFFFA0] =	vst v0;
	v0 =	vmul.f32 $8.000000000e+00, v2;
	v2 =	vld [tilespmem:s25+$0x20]  }
0xdb: {  	[tilespmem:s25+$0xFFFFFFB0] =	vst v1;
	v1 =	vmul.f32 $8.000000000e+00, v3;
	v3 =	vld [tilespmem:s25+$0x30]  }
0xdc: {  	[tilespmem:s25+$0xFFFFFFC0] =	vst v0;
	v0 =	vmul.f32 $8.000000000e+00, v4;
	v4 =	vld [tilespmem:s25+$0x40]  }
0xdd: {  	[tilespmem:s25+$0xFFFFFFD0] =	vst v1;
	v1 =	vmul.f32 $8.000000000e+00, v5;
	v5 =	vld [tilespmem:s25+$0x50]  }
0xde: {  	[tilespmem:s25+$0xFFFFFFE0] =	vst v0;
	v0 =	vmul.f32 $8.000000000e+00, v6;
	v6 =	vld [tilespmem:s25+$0x60]  }
0xdf: {  	[tilespmem:s25+$0x0] =	vst v1;
	v1 =	vmul.f32 $8.000000000e+00, v2;
	v2 =	vld [tilespmem:s25+$0x70]  }
0xe0: {  	[tilespmem:s25+$0x10] =	vst v0;
	v0 =	vmul.f32 $8.000000000e+00, v3;
	v3 =	vld [tilespmem:s25+$0x80]  }
0xe1: {  	[tilespmem:s25+$0x20] =	vst v1;
	v1 =	vmul.f32 $8.000000000e+00, v4;
	v4 =	vld [tilespmem:s25+$0x90]  }
0xe2: {  	[tilespmem:s25+$0x30] =	vst v0;
	v0 =	vmul.f32 $8.000000000e+00, v5;
	v5 =	vld [tilespmem:s25+$0xA0]  }
0xe3: {  	[tilespmem:s25+$0x40] =	vst v1;
	v1 =	vmul.f32 $8.000000000e+00, v6;
	v6 =	vld [tilespmem:s25+$0xB0]  }
0xe4: {  	[tilespmem:s25+$0x50] =	vst v0;
	v2 =	vmul.f32 $8.000000000e+00, v2;
	v0 =	vld [tilespmem:s25+$0xC0]  }
0xe5: {  	[tilespmem:s25+$0x60] =	vst v1;
	v3 =	vmul.f32 $8.000000000e+00, v3;
	v1 =	vld [tilespmem:s25+$0xD0]  }
0xe6: {  	[tilespmem:s25+$0x70] =	vst v2;
	v7 =	vmul.f32 $8.000000000e+00, v4;
	v2 =	vld [tilespmem:s25+$0xE0]  }
0xe7: {  	[tilespmem:s25+$0x80] =	vst v3;
	v3 =	vld [tilespmem:s25+$0xF0];
	v5 =	vmul.f32 $8.000000000e+00, v5  }
0xe8: {  	s28 =	simm.s32 $0x0;
	s29 =	simm.s32 $0x16700;
	v4 =	vld [tilespmem:s25+$0xFFFFFFF0];
	[tilespmem:s25+$0x90] =	vst v7;
	v6 =	vmul.f32 $8.000000000e+00, v6  }
.LBB2_12:
0xe9: {  	v7 =	vld [tilespmem:s29+$0xFFFFFF00];
	[tilespmem:s25+$0xA0] =	vst v5;
	v0 =	vmul.f32 $8.000000000e+00, v0  }
0xea: {  	v5 =	vld [tilespmem:s29+$0xFFFFFF10];
	[tilespmem:s25+$0xB0] =	vst v6;
	v1 =	vmul.f32 $8.000000000e+00, v1  }
0xeb: {  	v6 =	vld [tilespmem:s29+$0xFFFFFF20];
	[tilespmem:s25+$0xC0] =	vst v0;
	v0 =	vmul.f32 $8.000000000e+00, v2  }
0xec: {  	v2 =	vld [tilespmem:s29+$0xFFFFFF30];
	[tilespmem:s25+$0xD0] =	vst v1;
	v1 =	vmul.f32 $8.000000000e+00, v3  }
0xed: {  	v3 =	vld [tilespmem:s29+$0xFFFFFF40];
	v4 =	vmul.f32 $8.000000000e+00, v4;
	[tilespmem:s25+$0xE0] =	vst v0  }
0xee: {  	v0 =	vmul.f32 $8.000000000e+00, v7;
	v7 =	vld [tilespmem:s29+$0xFFFFFF50];
	[tilespmem:s25+$0xF0] =	vst v1  }
0xef: {  	v1 =	vmul.f32 $8.000000000e+00, v5;
	v5 =	vld [tilespmem:s29+$0xFFFFFF60];
	[tilespmem:s25+$0xFFFFFFF0] =	vst v4;
	s25 =	smov.u32 s29  }
0xf0: {  	[tilespmem:s29+$0xFFFFFF00] =	vst v0;
	v0 =	vmul.f32 $8.000000000e+00, v6;
	v4 =	vld [tilespmem:s29+$0xFFFFFF70]  }
0xf1: {  	[tilespmem:s29+$0xFFFFFF10] =	vst v1;
	v1 =	vmul.f32 $8.000000000e+00, v2;
	v2 =	vld [tilespmem:s29+$0xFFFFFF80]  }
0xf2: {  	[tilespmem:s29+$0xFFFFFF20] =	vst v0;
	v0 =	vmul.f32 $8.000000000e+00, v3;
	v3 =	vld [tilespmem:s29+$0xFFFFFF90]  }
0xf3: {  	[tilespmem:s29+$0xFFFFFF30] =	vst v1;
	v1 =	vmul.f32 $8.000000000e+00, v7;
	v6 =	vld [tilespmem:s29+$0xFFFFFFA0]  }
0xf4: {  	[tilespmem:s29+$0xFFFFFF40] =	vst v0;
	v0 =	vmul.f32 $8.000000000e+00, v5;
	v5 =	vld [tilespmem:s29+$0xFFFFFFB0]  }
0xf5: {  	[tilespmem:s29+$0xFFFFFF50] =	vst v1;
	v1 =	vmul.f32 $8.000000000e+00, v4;
	v4 =	vld [tilespmem:s29+$0xFFFFFFC0]  }
0xf6: {  	[tilespmem:s29+$0xFFFFFF60] =	vst v0;
	v0 =	vmul.f32 $8.000000000e+00, v2;
	v2 =	vld [tilespmem:s29+$0xFFFFFFD0]  }
0xf7: {  	[tilespmem:s29+$0xFFFFFF70] =	vst v1;
	v1 =	vmul.f32 $8.000000000e+00, v3;
	v3 =	vld [tilespmem:s29+$0xFFFFFFE0]  }
0xf8: {  	[tilespmem:s29+$0xFFFFFF80] =	vst v0;
	v0 =	vmul.f32 $8.000000000e+00, v6;
	v6 =	vld [tilespmem:s29+$0x0]  }
0xf9: {  	[tilespmem:s29+$0xFFFFFF90] =	vst v1;
	v1 =	vmul.f32 $8.000000000e+00, v5;
	v5 =	vld [tilespmem:s29+$0x10]  }
0xfa: {  	[tilespmem:s29+$0xFFFFFFA0] =	vst v0;
	v0 =	vmul.f32 $8.000000000e+00, v4;
	v4 =	vld [tilespmem:s29+$0x20]  }
0xfb: {  	[tilespmem:s29+$0xFFFFFFB0] =	vst v1;
	v1 =	vmul.f32 $8.000000000e+00, v2;
	v2 =	vld [tilespmem:s29+$0x30]  }
0xfc: {  	[tilespmem:s29+$0xFFFFFFC0] =	vst v0;
	v0 =	vmul.f32 $8.000000000e+00, v3;
	v3 =	vld [tilespmem:s29+$0x40]  }
0xfd: {  	[tilespmem:s29+$0xFFFFFFD0] =	vst v1;
	v1 =	vmul.f32 $8.000000000e+00, v6;
	v6 =	vld [tilespmem:s29+$0x50]  }
0xfe: {  	[tilespmem:s29+$0xFFFFFFE0] =	vst v0;
	v0 =	vmul.f32 $8.000000000e+00, v5;
	v5 =	vld [tilespmem:s29+$0x60]  }
0xff: {  	[tilespmem:s29+$0x0] =	vst v1;
	v1 =	vmul.f32 $8.000000000e+00, v4;
	v4 =	vld [tilespmem:s29+$0x70]  }
0x100: {  	[tilespmem:s29+$0x10] =	vst v0;
	v0 =	vmul.f32 $8.000000000e+00, v2;
	v2 =	vld [tilespmem:s29+$0x80]  }
0x101: {  	[tilespmem:s29+$0x20] =	vst v1;
	v1 =	vmul.f32 $8.000000000e+00, v3;
	v3 =	vld [tilespmem:s29+$0x90]  }
0x102: {  	s28 =	sadd.s32 $0x8, s28;
	[tilespmem:s29+$0x30] =	vst v0;
	v0 =	vmul.f32 $8.000000000e+00, v6;
	v6 =	vld [tilespmem:s29+$0xA0]  }
0x103: {  	p0 =	slt.u32 s28, $0x1F8;
	[tilespmem:s29+$0x40] =	vst v1;
	v1 =	vmul.f32 $8.000000000e+00, v5;
	v7 =	vld [tilespmem:s29+$0xB0]  }
.Ltmp7:
0x104: {  	[tilespmem:s29+$0x50] =	vst v0;
	v4 =	vmul.f32 $8.000000000e+00, v4;
	v0 =	vld [tilespmem:s29+$0xC0];
	(pc) =	sbr.rel @p0 .LBB2_12-.Ltmp7, $4  }
0x105: {  	[tilespmem:s29+$0x60] =	vst v1;
	v5 =	vmul.f32 $8.000000000e+00, v2;
	v1 =	vld [tilespmem:s29+$0xD0]  }
0x106: {  	[tilespmem:s29+$0x70] =	vst v4;
	v8 =	vmul.f32 $8.000000000e+00, v3;
	v2 =	vld [tilespmem:s29+$0xE0]  }
0x107: {  	[tilespmem:s29+$0x80] =	vst v5;
	v5 =	vmul.f32 $8.000000000e+00, v6;
	v3 =	vld [tilespmem:s29+$0xF0]  }
0x108: {  	s29 =	sadd.s32 $0x200, s29;
	v4 =	vld [tilespmem:s25+$0xFFFFFFF0];
	[tilespmem:s25+$0x90] =	vst v8;
	v6 =	vmul.f32 $8.000000000e+00, v7  }
0x109: {  	[tilespmem:s25+$0xA0] =	vst v5;
	v0 =	vmul.f32 $8.000000000e+00, v0  }
0x10a: {  	[tilespmem:s25+$0xB0] =	vst v6;
	v1 =	vmul.f32 $8.000000000e+00, v1  }
0x10b: {  	[tilespmem:s25+$0xC0] =	vst v0;
	v61 =	vmul.f32 $8.000000000e+00, v2  }
.Ltmp8:
0x10c: {  	[tilespmem:s25+$0xD0] =	vst v1;
	v62 =	vmul.f32 $8.000000000e+00, v3;
	(pc) =	sbr.rel .LBB2_2-.Ltmp8, $4  }
0x10d: {  	s26 =	sadd.s32 s8, s26;
	v63 =	vmul.f32 $8.000000000e+00, v4;
	[tilespmem:s25+$0xE0] =	vst v61  }
0x10e: {  	s26 =	sshrl.u32 s26, $0x3;
	[tilespmem:s25+$0xF0] =	vst v62  }
0x10f: {  	s24 =	sadd.s32 $0x1, s24;
	s31 =	sadd.s32 s5, s26;
	[tilespmem:s25+$0xFFFFFFF0] =	vst v63  }
0x110: {  	[hbm4b:s31+s15] =	stream.strided.scatter [tilespmem:s17], [sflag:$0x6], $0x8000, s16, s15, $0x38;
	[tilespmem:$0x1E400] =	vst v63  }
.LBB2_15:
0x111: {  	_ =	sfence.sel $0x180000  }
0x112: {  	[bflag:$0x0] =	sbarrier.arrive $0xFFFF  }
0x113: {  	p0 =	sne.s32 s1, $0x0;
	_ =	strace $0x90000047  }
0x114: {  	s0 =	sadd.s32 @!p0 $0x100000, s0;
	[bflag:$0x2] =	sbarrier.arrive $0xFFFF  }
0x115: {  	[sflag:s0] =	ssyncadd.tile.s32 @!p0 $0x1;
	_ =	shalt  }
.Lfunc_end2:
_tile_overlayer_lowered:
.L_overlay_start_2:
0x116: {  	(tag) =	ssettag $0x2  }
0x117: {  	s0 =	rddreg [dreg:$0x0];
	s2 =	stileid.u32  }
0x118: {  	s1 =	rddreg [dreg:$0x1];
	p0 =	sne.s32 s2, $0x0  }
0x119: {  	s3 =	rddreg [dreg:$0x2];
	[bflag:$0x3] =	sbarrier.arrive $0xFFFF;
	s2 =	simm.s32 @!p0 $0x1C07  }
0x11a: {  	[timem:s3], [sflag:s2] =	dma.local @!p0 [hbm:s0], s1  }
0x11b: {  	s0 =	simm.s32 @!p0 $0x7  }
0x11c: {  	_ =	swait.ge @!p0 [sflag:s0], s1  }
0x11d: {  	s1 =	ssub.s32 @!p0 $0x0, s1;
	[sflag:s0] =	ssyncset.done @!p0 $0x0  }
0x11e: {  	[sflag:s0] =	ssyncadd.s32 @!p0 s1  }
0x11f: {  	[bflag:$0x3] =	sbarrier.arrive $0xFFFF  }
0x120: {  	_ =	shalt  }

// kernel: sparse-core-data-format-call.cloned.1.call-start
scs
called_computation_lowered:
.L_overlay_start_0:
0x0: {  	s2 =	sld [smem:$0x3FD9]  }
0x1: {  	s3 =	sld [smem:$0x3FFE];
	_ =	sdelay $0x1  }
0x2: {  	s1 =	srdreg.scid  }
0x3: {  	s0 =	sand.u32 $0x1, s1  }
0x4: {  	s18 =	sshll.u32 s0, $0xA;
	s2 =	sadd.s32 s3, s2  }
0x5: {  	s2 =	sadd.s32 s2, s18  }
0x6: {  	[smem:$0x3FC6] =	sst s2  }
0x7: {  	_ = 	snop  }
0x8: {  	s2 =	sld [smem:$0x3FD0];
	(tm) =	ssettm $0x1  }
0x9: {  	s19 =	sld [smem:$0x3FFB];
	_ =	sdelay $0x3  }
0xa: {  	_ =	strace s19  }
0xb: {  	s3 =	sld [smem:$0x3FFC];
	_ =	sdelay $0x3  }
0xc: {  	_ =	strace s3  }
0xd: {  	s3 =	sld [smem:$0x3FFD];
	_ =	sdelay $0x3  }
0xe: {  	_ =	strace s3  }
0xf: {  	_ =	strace $0x8FFFFFFF  }
0x10: {  	s20 =	sld [smem:$0x3FDB];
	_ =	sdelay $0x1  }
0x11: {  	s4 =	simm.s32 $_scs_section_size  }
0x12: {  	s5 =	simm.s32 $_size__tile_overlayer_lowered;
	s6 =	simm.s32 $_tile_overlayer_lowered  }
0x13: {  	s23 =	simm.s32 $0x1BFF;
	s22 =	sshll.u32 s6, $0x1;
	s3 =	sadd.s32 s4, s20  }
0x14: {  	s7 =	simm.s32 $0x0;
	s21 =	sshll.u32 s5, $0x1;
	s5 =	sadd.s32 s22, s3  }
0x15: {  	[timem:s7], [sflag:s23] =	dma.local [hbm:s5], s21  }
0x16: {  	_ =	swait.ge [sflag:s23], s21  }
0x17: {  	s4 =	ssub.s32 $0x0, s21;
	[sflag:s23] =	ssyncset.done $0x0  }
0x18: {  	[sflag:s23] =	ssyncadd.s32 s4;
	_ =	sdelay $0x1  }
0x19: {  	s24 =	simm.s32 $0x1B8B  }
0x1a: {  	_ =	swait.ge [sflag:s24], $0x1  }
0x1b: {  	[sflag:s24] =	ssyncset.done $0x0  }
0x1c: {  	s26 =	simm.s32 $0x1B8E;
	s25 =	sld [smem:$0x3FFE];
	[sflag:s24] =	ssyncadd.s32 $0xFFFFFFFF  }
0x1d: {  	s27 =	simm.s32 $execute0_lowered;
	[smem:$0x3FD2] =	sst s26  }
0x1e: {  	s5 =	sshll.u32 s27, $0x1;
	_ =	strace $0x80000049;
	[dreg:$0x1] =	wrdreg $0xFFFFFFFF  }
0x1f: {  	s28 =	simm.s32 $_size_execute0_lowered;
	s3 =	sadd.s32 s3, s5;
	[dreg:$0x0] =	wrdreg $0x0  }
0x20: {  	s5 =	sshll.u32 s28, $0x1;
	[dreg:$0x2] =	wrdreg s3  }
0x21: {  	[dreg:$0x3] =	wrdreg s5  }
0x22: {  	[dreg:$0x4] =	wrdreg $0xC0  }
0x23: {  	_ =	task [dreg:s7], $0x5FFFF  }
0x24: {  	[dreg:$0x1] =	wrdreg $0xFFFFFFFF  }
0x25: {  	[dreg:$0x0] =	wrdreg $0x60  }
0x26: {  	[dreg:$0x2] =	wrdreg s25  }
0x27: {  	[dreg:$0x3] =	wrdreg s2  }
0x28: {  	[dreg:$0x4] =	wrdreg $0x9  }
0x29: {  	_ =	task.clear_ibuf [dreg:s7], $0x5FFFF;
	_ =	strace $0x90000049  }
0x2a: {  	s29 =	simm.s32 $0x9;
	_ =	strace $0x8000004B  }
0x2b: {  	_ =	swait.ge [sflag:s29], $0x1  }
0x2c: {  	[sflag:s29] =	ssyncadd.s32 $0xFFFFFFFF  }
0x2d: {  	_ =	strace $0x9000004B  }
0x2e: {  	_ =	sfence  }
0x2f: {  	s30 =	sld [smem:$0x0];
	_ =	sdelay $0x2  }
0x30: {  	s31 =	sshll.u32 s1, $0xD;
	s1 =	sshrl.u32 s1, $0x2  }
0x31: {  	s3 =	sand.u32 $0x4000, s31;
	s1 =	sadd.s32 s1, s30  }
0x32: {  	s0 =	sor.u32 s3, s0;
	s1 =	sshll.u32 s1, $0x11  }
0x33: {  	s0 =	sor.u32 s1, s0  }
0x34: {  	s0 =	sadd.s32 $0x8F2B, s0  }
0x35: {  	[sflag:s0] =	ssyncadd.remote.s32 $0x1  }
0x36: {  	_ =	sfence.sel $0xFFFF  }
0x37: {  	[dreg:$0x0] =	wrdreg $0xFFFFFFFF;
	(pc) =	sbr.abs _section_cstart, $3  }
0x38: {  	[dreg:$0x1] =	wrdreg $0xFFFFFFFF  }
0x39: {  	_ =	task.clear_ibuf [dreg:s7], $0x2FFFF;
	_ =	strace $0x9FFFFFFF  }
0x3a: {  	(tm) =	ssettm $0x7FFFFFFF  }
0x3b: {  	_ =	shalt  }
tec
execute0_lowered:
.L_overlay_start_1:
0x0: {  	(tag) =	ssettag $0x1  }
0x1: {  	s0 =	srdreg.scid  }
0x2: {  	s1 =	sshll.u32 s0, $0x4  }
0x3: {  	s0 =	stileid.u32;
	s1 =	sand.u32 $0x10, s1  }
0x4: {  	s1 =	sor.u32 s0, s1  }
0x5: {  	s6 =	rddreg [dreg:$0x0];
	s4 =	simm.s32 $0x1;
	s2 =	sshll.u32 s1, $0x7  }
0x6: {  	s7 =	simm.s32 $0x2;
	s12 =	simm.s32 $0x0;
	s1 =	ssub.s32 $0x1000, s2  }
0x7: {  	s8 =	simm.s32 $0x8000;
	s13 =	simm.s32 $0x0;
	s3 =	sand.u32 $0xF80, s1  }
0x8: {  	s9 =	simm.s32 $0x0;
	s5 =	sshrl.u32 s1, $0xC;
	p0 =	sne.s32 s3, $0x0  }
.Ltmp0:
0x9: {  	s1 =	rddreg [dreg:$0x2];
	s4 =	simm.s32 @!p0 $0x0;
	(pc) =	sbr.rel .LBB1_1-.Ltmp0, $4  }
0xa: {  	s11 =	simm.s32 $0x0;
	s3 =	rddreg [dreg:$0x1];
	s5 =	sadd.s32 s4, s5  }
0xb: {  	_ =	strace $0x8000004A;
	s4 =	simm.s32 $0x1;
	s5 =	smul.u32 $0xC8, s5  }
0xc: {  	s6 =	sadd.s32 $0xA00, s6;
	s10 =	smov.u32 s2;
	[sflag:s4] =	ssyncpa.u1 $0x0  }
0xd: {  	p0 =	por $0x0, $0x0;
	[sflag:s7] =	ssyncpa.u1 $0x0;
	s7 =	sor.u32 $0x1, s5  }
.LBB1_4:
0xe: {  	s16 =	sshll.u32 s13, $0x3;
	s17 =	sand.u32 $0x78, s13  }
0xf: {  	s30 =	sand.u32 $0x7E00, s13;
	s12 =	sshll.u32 s12, $0xF;
	s16 =	sand.u32 $0xC00, s16  }
0x10: {  	[tilespmem:s15+$0x810 ss:$0x81] =	vst.msk $0xffff, v2;
	s31 =	sand.u32 $0x7, s13;
	s16 =	sor.u32 s17, s16;
	s17 =	sadd.s32 s3, s30  }
0x11: {  	[tilespmem:s15+$0x1020 ss:$0x81] =	vst.msk $0xffff, v0;
	s13 =	sshll.u32 s31, $0x12;
	s12 =	sadd.s32 s12, s17;
	s16 =	sshrl.u32 s16, $0x3  }
0x12: {  	[tilespmem:s15+$0x0 ss:$0x81] =	vst.msk $0xffff, v1;
	s13 =	sor.u32 $0x400, s13;
	s12 =	sadd.s32 s16, s12  }
0x13: {  	[hbm4b:s12+s13] =	stream.strided.scatter [tilespmem:s14], [sflag:$0x2], $0x2000, s8, s13, $0x20;
	[tilespmem:$0x8080] =	vst v63  }
.LBB1_5:
0x14: {  	s14 =	sadd.s32 $0x1, s9  }
0x15: {  	s12 =	sadd.s32 $0x1000, s10;
	s16 =	smov.u32 s10;
	p2 =	sgt.s32 s14, $0xC7  }
0x16: {  	s16 =	smov.u32 @p2 s12  }
0x17: {  	s14 =	simm.s32 @p2 $0x0;
	p2 =	sgt.s32 s16, $0xFFF  }
0x18: {  	s16 =	smov.u32 @p2 s2;
	p2 =	sne.s32 s11, s7  }
.Ltmp1:
0x19: {  	p1 =	slt.u32 s11, $0x2;
	(pc) =	sbr.rel @!p2 .LBB1_6-.Ltmp1, $4  }
0x1a: {  	s15 =	simm.s32 @!p1 $0x2  }
0x1b: {  	s13 =	smov.u32 s10;
	p0 =	por !p0, !p0;
	_ =	swait.ge @!p1 [sflag:s15], $0x2000  }
0x1c: {  	s12 =	smov.u32 s9;
	[sflag:s15] =	ssyncset.done @!p1 $0x0;
	s9 =	smov.u32 s14  }
0x1d: {  	s11 =	sadd.s32 $0x1, s11;
	[sflag:s15] =	ssyncadd.s32 @!p1 $0xFFFFE000;
	s10 =	smov.u32 s16  }
.LBB1_1:
0x1e: {  	p1 =	sge.u32 s11, s5  }
0x1f: {  	s14 =	sand.u32 @!p1 $0x1FFFFFF, s9  }
0x20: {  	s15 =	smulhi.u32 @!p1 $0x147AE15, s14;
	_ =	sdelay $0x1  }
0x21: {  	s15 =	smul.u32 @!p1 $0xC8, s15  }
0x22: {  	s16 =	sxor.u32 @!p1 $0xFFFFFFFF, s11;
	s17 =	smul.u32 @!p1 $0xC80, s10  }
0x23: {  	s31 =	sadd.s32 $0xFFFFFFFF, s11;
	s16 =	sshll.u32 @!p1 s16, $0xD;
	s14 =	ssub.s32 @!p1 s14, s15  }
0x24: {  	s15 =	sand.u32 @!p1 $0x2000, s16;
	s16 =	sadd.s32 @!p1 s6, s17;
	s14 =	sshll.u32 @!p1 s14, $0x4  }
0x25: {  	s17 =	simm.s32 @!p1 $0x6400;
	s14 =	sadd.s32 @!p1 s14, s16;
	s16 =	simm.s32 @!p1 $0x40  }
0x26: {  	[tilespmem:s15], [sflag:$0x1] =	stream.strided.gather @!p1 [hbm4b:s14+s16], $0x2000, s17, s16, $0x38;
	[tilespmem:$0x8080] =	vst v63  }
0x27: {  	p1 =	sge.u32 s31, s5  }
.Ltmp2:
0x28: {  	_ = 	snop;
	(pc) =	sbr.rel @p1 .LBB1_5-.Ltmp2, $1  }
0x29: {  	_ =	sdelay $0x3  }
0x2a: {  	s14 =	simm.s32 $0x1  }
0x2b: {  	_ =	swait.ge [sflag:s4], $0x2000;
	s14 =	simm.s32 @!p0 $0x0  }
0x2c: {  	[sflag:s4] =	ssyncset.done $0x0;
	s15 =	sshll.u32 s14, $0xD  }
0x2d: {  	[sflag:s4] =	ssyncadd.s32 $0xFFFFE000;
	s18 =	sor.u32 $0x20, s15  }
0x2e: {  	s14 =	smul.u32 $0x8100, s14;
	v3 =	vld [tilespmem:s18+$0x10]  }
0x2f: {  	s30 =	sand.u32 $0x1, s11;
	v2 =	vld [tilespmem:s18+$0xFFFFFFF0]  }
0x30: {  	s15 =	smul.u32 $0x8100, s30;
	s14 =	sshrl.u32 s14, $0x2;
	v0 =	vld [tilespmem:s18+$0x0]  }
0x31: {  	v1 =	vld [tilespmem:s18+$0xFFFFFFE0];
	s16 =	sor.u32 $0x4000, s14  }
0x32: {  	s31 =	sshrl.u32 s15, $0x2;
	s15 =	sadd.s32 $0x0, s16  }
0x33: {  	s17 =	simm.s32 $0x4;
	s18 =	sadd.s32 $0x40, s18;
	s14 =	sor.u32 $0x4000, s31;
	[tilespmem:s15+$0x1830 ss:$0x81] =	vst.msk $0xffff, v3  }
.LBB1_3:
0x34: {  	v3 =	vld [tilespmem:s18+$0x10];
	p1 =	sne.s32 s17, $0x1FC;
	[tilespmem:s15+$0x810 ss:$0x81] =	vst.msk $0xffff, v2;
	s19 =	smov.u32 s17;
	s17 =	sadd.s32 $0x4, s17  }
.Ltmp3:
0x35: {  	v2 =	vld [tilespmem:s18+$0xFFFFFFF0];
	[tilespmem:s15+$0x1020 ss:$0x81] =	vst.msk $0xffff, v0;
	(pc) =	sbr.rel @p1 .LBB1_3-.Ltmp3, $4  }
0x36: {  	v0 =	vld [tilespmem:s18+$0x0];
	[tilespmem:s15+$0x0 ss:$0x81] =	vst.msk $0xffff, v1  }
0x37: {  	s15 =	sshra.s32 s19, $0x2;
	v1 =	vld [tilespmem:s18+$0xFFFFFFE0]  }
0x38: {  	s15 =	sadd.s32 s15, s16  }
0x39: {  	s18 =	sadd.s32 $0x40, s18;
	[tilespmem:s15+$0x1830 ss:$0x81] =	vst.msk $0xffff, v3  }
.Ltmp4:
0x3a: {  	_ = 	snop;
	(pc) =	sbr.rel .LBB1_4-.Ltmp4, $1  }
0x3b: {  	_ =	sdelay $0x3  }
.LBB1_6:
0x3c: {  	_ =	sfence.sel $0x180000  }
0x3d: {  	s2 =	simm.s32 $0x1;
	[bflag:$0x0] =	sbarrier.arrive $0xFFFF  }
0x3e: {  	s31 =	simm.s32 $0x2;
	[sflag:s2] =	ssyncpa.u1 $0x1  }
0x3f: {  	[sflag:s31] =	ssyncpa.u1 $0x1  }
0x40: {  	p0 =	sne.s32 s0, $0x0;
	_ =	strace $0x9000004A  }
0x41: {  	s0 =	sadd.s32 @!p0 $0x100000, s1;
	[bflag:$0x2] =	sbarrier.arrive $0xFFFF  }
0x42: {  	[sflag:s0] =	ssyncadd.tile.s32 @!p0 $0x1;
	_ =	shalt  }
.Lfunc_end1:
_tile_overlayer_lowered:
.L_overlay_start_2:
0x43: {  	(tag) =	ssettag $0x2  }
0x44: {  	s0 =	rddreg [dreg:$0x0];
	s2 =	stileid.u32  }
0x45: {  	s1 =	rddreg [dreg:$0x1];
	p0 =	sne.s32 s2, $0x0  }
0x46: {  	s3 =	rddreg [dreg:$0x2];
	[bflag:$0x3] =	sbarrier.arrive $0xFFFF;
	s2 =	simm.s32 @!p0 $0x1C01  }
0x47: {  	[timem:s3], [sflag:s2] =	dma.local @!p0 [hbm:s0], s1  }
0x48: {  	s0 =	simm.s32 @!p0 $0x1  }
0x49: {  	_ =	swait.ge @!p0 [sflag:s0], s1  }
0x4a: {  	s1 =	ssub.s32 @!p0 $0x0, s1;
	[sflag:s0] =	ssyncset.done @!p0 $0x0  }
0x4b: {  	[sflag:s0] =	ssyncadd.s32 @!p0 s1  }
0x4c: {  	[bflag:$0x3] =	sbarrier.arrive $0xFFFF  }
0x4d: {  	_ =	shalt  }

</sc_bundles>
